<compile_context>
chip_gen: v7x
topology: tpu7x:2x2x1
jax: 0.10.2.dev20260603
libtpu: 0.0.44.dev20260713+nightly
codegen_flags: <defaults>
</compile_context>

<pallas_src>
import functools

import jax
import jax.numpy as jnp
from jax import lax
from jax.experimental import pallas as pl
from jax.experimental.pallas import tpu as pltpu
from jax.experimental.pallas import tpu_sc as plsc

NC = 2
NS = 16
NW = NC * NS

IDX_GRP = 128


def _sc_gather(table, idx_flat, n_total, emb_dim):
    grps_total = n_total // IDX_GRP
    grps_per_w = grps_total // NW
    rows_per_w = grps_per_w * IDX_GRP
    grps_per_chunk = max(
        g for g in range(1, 13)
        if grps_per_w % g == 0
        and g * IDX_GRP * emb_dim * 4 <= 256 * 1024)
    n_chunks = grps_per_w // grps_per_chunk
    rows_per_chunk = grps_per_chunk * IDX_GRP

    mesh = plsc.VectorSubcoreMesh(
        core_axis_name="c", subcore_axis_name="s", num_cores=NC,
        num_subcores=NS)

    @functools.partial(
        pl.kernel,
        out_type=jax.ShapeDtypeStruct((n_total, emb_dim), jnp.float32),
        mesh=mesh,
        scratch_types=[
            pltpu.VMEM((rows_per_w,), jnp.int32),
            pltpu.VMEM((rows_per_chunk, emb_dim), jnp.float32),
            pltpu.SemaphoreType.DMA,
        ],
        compiler_params=pltpu.CompilerParams(use_tc_tiling_on_sc=False),
    )
    def gather_kernel(table_hbm, idx_hbm, out_hbm, idx_v, rows_v, sem):
        wid = lax.axis_index("s") * NC + lax.axis_index("c")
        row_base = wid * rows_per_w
        pltpu.sync_copy(idx_hbm.at[pl.ds(row_base, rows_per_w)], idx_v)

        def chunk_body(c, _):
            copies = []
            for j in range(grps_per_chunk):
                g = c * grps_per_chunk + j
                copies.append(pltpu.async_copy(
                    table_hbm.at[idx_v.at[pl.ds(g * IDX_GRP, IDX_GRP)]],
                    rows_v.at[pl.ds(j * IDX_GRP, IDX_GRP)],
                    sem,
                ))
            for cp in copies:
                cp.wait()
            pltpu.sync_copy(
                rows_v,
                out_hbm.at[pl.ds(row_base + c * rows_per_chunk,
                                 rows_per_chunk)],
            )
            return ()

        lax.fori_loop(0, n_chunks, chunk_body, (), unroll=False)

    return gather_kernel(table, idx_flat)


def _concat_kernel(x_ref, emb_ref, out_ref):
    out_ref[:, : x_ref.shape[1]] = x_ref[...]
    out_ref[:, x_ref.shape[1]:] = emb_ref[...]


def kernel(x, ner, pos, entity_table):
    B, S, D = x.shape
    V, E = entity_table.shape
    n = B * S

    idx = ner.reshape(n).astype(jnp.int32)
    emb = _sc_gather(entity_table, idx, n, E)

    x2 = x.reshape(n, D)
    ROWS = 2048
    out = pl.pallas_call(
        _concat_kernel,
        grid=(n // ROWS,),
        in_specs=[
            pl.BlockSpec((ROWS, D), lambda i: (i, 0)),
            pl.BlockSpec((ROWS, E), lambda i: (i, 0)),
        ],
        out_specs=pl.BlockSpec((ROWS, D + E), lambda i: (i, 0)),
        out_shape=jax.ShapeDtypeStruct((n, D + E), jnp.float32),
    )(x2, emb)
    return out.reshape(B, S, D + E)

# --- scband reference (transcript-rebuilt; emitter-appended) ---
"""Pipeline reference for scband-embedding-12146167513759 (READ-ONLY COPY).

The authoritative reference and input builder live on the scoring server;
editing this copy changes nothing except your own understanding.
"""

import jax, jax.numpy as jnp
import numpy as np

ENTITY_VOCAB = 100000
ENTITY_DIM = 32
B, S, D = 1024, 200, 128


def setup_inputs(seed: int = 0) -> dict:
    key = jax.random.key(seed)
    k1, k2, k3, k4 = jax.random.split(key, 4)
    x = jax.random.normal(k1, (B, S, D), dtype=jnp.float32)
    ner = jax.random.randint(k2, (B, S), 0, ENTITY_VOCAB, dtype=jnp.int64 if jax.config.jax_enable_x64 else jnp.int32)
    pos = jax.random.randint(k3, (B, S), 0, 1000, dtype=jnp.int64 if jax.config.jax_enable_x64 else jnp.int32)
    # entity embedding table (nn.Embedding with padding_idx=0 -> row 0 is zeros)
    entity_table = jax.random.normal(k4, (ENTITY_VOCAB, ENTITY_DIM), dtype=jnp.float32)
    entity_table = entity_table.at[0].set(0.0)
    return {"x": x, "ner": ner, "pos": pos, "entity_table": entity_table}


def reference(x, ner, pos, entity_table):
    # ner_embed = self.entity_embedding(ner)
    ner_embed = jnp.take(entity_table, ner, axis=0)
    # x_embed = torch.cat([x, ner_embed], dim=-1)
    x_embed = jnp.concatenate([x, ner_embed], axis=-1)
    return x_embed

if __name__ == "__main__":
    import jax
    _d = setup_inputs()
    print(jax.jit(kernel)(*tuple(_d.values())))

</pallas_src>

<mosaic_0001>
#map = affine_map<(d0, d1) -> (0, 0)>
#map1 = affine_map<(d0, d1) -> (0)>
module attributes {stable_mosaic.version = 14 : i64} {
  func.func @gather_kernel(%arg0: i32, %arg1: i32, %arg2: memref<100000x32xf32, #tpu.memory_space<hbm>>, %arg3: memref<204800xi32, #tpu.memory_space<hbm>>, %arg4: memref<204800x32xf32, #tpu.memory_space<hbm>>, %arg5: memref<6400xi32, #tpu.memory_space<vmem>>, %arg6: memref<1280x32xf32, #tpu.memory_space<vmem>>, %arg7: memref<!tpu.dma_semaphore, #tpu.memory_space<semaphore_mem>>) attributes {dimension_semantics = [#tpu.dimension_semantics<core_parallel>, #tpu.dimension_semantics<subcore_parallel>], iteration_bounds = array<i64: 2, 16>, scalar_prefetch = 0 : i64, scratch_operands = 3 : i64, tpu.core_type = #tpu.core_type<sc_vector_subcore>, window_params = [{transform_indices = #map}, {transform_indices = #map1}, {transform_indices = #map}]} {
    %mul3A = arith.constant 2 : i32
    %mul3A_0 = arith.muli %arg1, %mul3A : i32
    %add3A = arith.addi %mul3A_0, %arg0 : i32
    %mul3A_1 = arith.constant 6400 : i32
    %mul3A_2 = arith.muli %add3A, %mul3A_1 : i32
    "tpu.region"() ({
      %run_scoped3A = tpu.sem_alloc : memref<!tpu.dma_semaphore, #tpu.memory_space<semaphore_mem>>
      %dma_start3A = tpu.memref_slice %arg3[%mul3A_2] : memref<204800xi32, #tpu.memory_space<hbm>> -> memref<6400xi32, #tpu.memory_space<hbm>>
      %dma_start3A_7 = tpu.memref_slice %arg3[%mul3A_2] : memref<204800xi32, #tpu.memory_space<hbm>> -> memref<6400xi32, #tpu.memory_space<hbm>>
      tpu.enqueue_dma source(%dma_start3A_7 : memref<6400xi32, #tpu.memory_space<hbm>>) target(%arg5 : memref<6400xi32, #tpu.memory_space<vmem>>) target_semaphore(%run_scoped3A : memref<!tpu.dma_semaphore, #tpu.memory_space<semaphore_mem>>)
      %dma_wait3A = tpu.memref_slice %arg3[%mul3A_2] : memref<204800xi32, #tpu.memory_space<hbm>> -> memref<6400xi32, #tpu.memory_space<hbm>>
      %dma_wait3A_8 = tpu.memref_slice %arg3[%mul3A_2] : memref<204800xi32, #tpu.memory_space<hbm>> -> memref<6400xi32, #tpu.memory_space<hbm>>
      tpu.wait_dma2 semaphore(%run_scoped3A : memref<!tpu.dma_semaphore, #tpu.memory_space<semaphore_mem>>) src(%dma_wait3A_8 : memref<6400xi32, #tpu.memory_space<hbm>>) dst(%arg5 : memref<6400xi32, #tpu.memory_space<vmem>>)
      tpu.yield
    }) : () -> ()
    %scan3A = arith.constant 0 : i32
    %scan3A_3 = arith.constant 5 : i32
    %scan3A_4 = arith.addi %scan3A, %scan3A_3 : i32
    %scan3A_5 = arith.constant 1 : i32
    scf.for %scan3A_7 = %scan3A to %scan3A_4 step %scan3A_5  : i32 {
      %mul3A_8 = arith.constant 10 : i32
      %mul3A_9 = arith.muli %scan3A_7, %mul3A_8 : i32
      %add3A_10 = arith.constant 0 : i32
      %add3A_11 = arith.addi %mul3A_9, %add3A_10 : i32
      %mul3A_12 = arith.constant 128 : i32
      %mul3A_13 = arith.muli %add3A_11, %mul3A_12 : i32
      %dma_start3A = arith.constant 0 : i32
      %dma_start3A_14 = arith.constant 0 : i32
      %dma_start3A_15 = tpu.memref_slice %arg6[%dma_start3A, %dma_start3A_14] : memref<1280x32xf32, #tpu.memory_space<vmem>> -> memref<128x32xf32, #tpu.memory_space<vmem>>
      %dma_start3A_16 = tpu.memref_slice %arg5[%mul3A_13] : memref<6400xi32, #tpu.memory_space<vmem>> -> memref<128xi32, #tpu.memory_space<vmem>>
      %dma_start3A_17 = arith.constant 0 : i32
      %dma_start3A_18 = arith.constant 0 : i32
      %dma_start3A_19 = tpu.memref_slice %arg2[%dma_start3A_17, %dma_start3A_18] : memref<100000x32xf32, #tpu.memory_space<hbm>> -> memref<100000x32xf32, #tpu.memory_space<hbm>>
      tpu.enqueue_indirect_dma source(%dma_start3A_19 : memref<100000x32xf32, #tpu.memory_space<hbm>>) target(%dma_start3A_15 : memref<128x32xf32, #tpu.memory_space<vmem>>) offsets(%dma_start3A_16 : memref<128xi32, #tpu.memory_space<vmem>>) semaphore(%arg7 : memref<!tpu.dma_semaphore, #tpu.memory_space<semaphore_mem>>)
      %mul3A_20 = arith.constant 10 : i32
      %mul3A_21 = arith.muli %scan3A_7, %mul3A_20 : i32
      %add3A_22 = arith.constant 1 : i32
      %add3A_23 = arith.addi %mul3A_21, %add3A_22 : i32
      %mul3A_24 = arith.constant 128 : i32
      %mul3A_25 = arith.muli %add3A_23, %mul3A_24 : i32
      %dma_start3A_26 = arith.constant 128 : i32
      %dma_start3A_27 = arith.constant 0 : i32
      %dma_start3A_28 = tpu.memref_slice %arg6[%dma_start3A_26, %dma_start3A_27] : memref<1280x32xf32, #tpu.memory_space<vmem>> -> memref<128x32xf32, #tpu.memory_space<vmem>>
      %dma_start3A_29 = tpu.memref_slice %arg5[%mul3A_25] : memref<6400xi32, #tpu.memory_space<vmem>> -> memref<128xi32, #tpu.memory_space<vmem>>
      %dma_start3A_30 = arith.constant 0 : i32
      %dma_start3A_31 = arith.constant 0 : i32
      %dma_start3A_32 = tpu.memref_slice %arg2[%dma_start3A_30, %dma_start3A_31] : memref<100000x32xf32, #tpu.memory_space<hbm>> -> memref<100000x32xf32, #tpu.memory_space<hbm>>
      tpu.enqueue_indirect_dma source(%dma_start3A_32 : memref<100000x32xf32, #tpu.memory_space<hbm>>) target(%dma_start3A_28 : memref<128x32xf32, #tpu.memory_space<vmem>>) offsets(%dma_start3A_29 : memref<128xi32, #tpu.memory_space<vmem>>) semaphore(%arg7 : memref<!tpu.dma_semaphore, #tpu.memory_space<semaphore_mem>>)
      %mul3A_33 = arith.constant 10 : i32
      %mul3A_34 = arith.muli %scan3A_7, %mul3A_33 : i32
      %add3A_35 = arith.constant 2 : i32
      %add3A_36 = arith.addi %mul3A_34, %add3A_35 : i32
      %mul3A_37 = arith.constant 128 : i32
      %mul3A_38 = arith.muli %add3A_36, %mul3A_37 : i32
      %dma_start3A_39 = arith.constant 256 : i32
      %dma_start3A_40 = arith.constant 0 : i32
      %dma_start3A_41 = tpu.memref_slice %arg6[%dma_start3A_39, %dma_start3A_40] : memref<1280x32xf32, #tpu.memory_space<vmem>> -> memref<128x32xf32, #tpu.memory_space<vmem>>
      %dma_start3A_42 = tpu.memref_slice %arg5[%mul3A_38] : memref<6400xi32, #tpu.memory_space<vmem>> -> memref<128xi32, #tpu.memory_space<vmem>>
      %dma_start3A_43 = arith.constant 0 : i32
      %dma_start3A_44 = arith.constant 0 : i32
      %dma_start3A_45 = tpu.memref_slice %arg2[%dma_start3A_43, %dma_start3A_44] : memref<100000x32xf32, #tpu.memory_space<hbm>> -> memref<100000x32xf32, #tpu.memory_space<hbm>>
      tpu.enqueue_indirect_dma source(%dma_start3A_45 : memref<100000x32xf32, #tpu.memory_space<hbm>>) target(%dma_start3A_41 : memref<128x32xf32, #tpu.memory_space<vmem>>) offsets(%dma_start3A_42 : memref<128xi32, #tpu.memory_space<vmem>>) semaphore(%arg7 : memref<!tpu.dma_semaphore, #tpu.memory_space<semaphore_mem>>)
      %mul3A_46 = arith.constant 10 : i32
      %mul3A_47 = arith.muli %scan3A_7, %mul3A_46 : i32
      %add3A_48 = arith.constant 3 : i32
      %add3A_49 = arith.addi %mul3A_47, %add3A_48 : i32
      %mul3A_50 = arith.constant 128 : i32
      %mul3A_51 = arith.muli %add3A_49, %mul3A_50 : i32
      %dma_start3A_52 = arith.constant 384 : i32
      %dma_start3A_53 = arith.constant 0 : i32
      %dma_start3A_54 = tpu.memref_slice %arg6[%dma_start3A_52, %dma_start3A_53] : memref<1280x32xf32, #tpu.memory_space<vmem>> -> memref<128x32xf32, #tpu.memory_space<vmem>>
      %dma_start3A_55 = tpu.memref_slice %arg5[%mul3A_51] : memref<6400xi32, #tpu.memory_space<vmem>> -> memref<128xi32, #tpu.memory_space<vmem>>
      %dma_start3A_56 = arith.constant 0 : i32
      %dma_start3A_57 = arith.constant 0 : i32
      %dma_start3A_58 = tpu.memref_slice %arg2[%dma_start3A_56, %dma_start3A_57] : memref<100000x32xf32, #tpu.memory_space<hbm>> -> memref<100000x32xf32, #tpu.memory_space<hbm>>
      tpu.enqueue_indirect_dma source(%dma_start3A_58 : memref<100000x32xf32, #tpu.memory_space<hbm>>) target(%dma_start3A_54 : memref<128x32xf32, #tpu.memory_space<vmem>>) offsets(%dma_start3A_55 : memref<128xi32, #tpu.memory_space<vmem>>) semaphore(%arg7 : memref<!tpu.dma_semaphore, #tpu.memory_space<semaphore_mem>>)
      %mul3A_59 = arith.constant 10 : i32
      %mul3A_60 = arith.muli %scan3A_7, %mul3A_59 : i32
      %add3A_61 = arith.constant 4 : i32
      %add3A_62 = arith.addi %mul3A_60, %add3A_61 : i32
      %mul3A_63 = arith.constant 128 : i32
      %mul3A_64 = arith.muli %add3A_62, %mul3A_63 : i32
      %dma_start3A_65 = arith.constant 512 : i32
      %dma_start3A_66 = arith.constant 0 : i32
      %dma_start3A_67 = tpu.memref_slice %arg6[%dma_start3A_65, %dma_start3A_66] : memref<1280x32xf32, #tpu.memory_space<vmem>> -> memref<128x32xf32, #tpu.memory_space<vmem>>
      %dma_start3A_68 = tpu.memref_slice %arg5[%mul3A_64] : memref<6400xi32, #tpu.memory_space<vmem>> -> memref<128xi32, #tpu.memory_space<vmem>>
      %dma_start3A_69 = arith.constant 0 : i32
      %dma_start3A_70 = arith.constant 0 : i32
      %dma_start3A_71 = tpu.memref_slice %arg2[%dma_start3A_69, %dma_start3A_70] : memref<100000x32xf32, #tpu.memory_space<hbm>> -> memref<100000x32xf32, #tpu.memory_space<hbm>>
      tpu.enqueue_indirect_dma source(%dma_start3A_71 : memref<100000x32xf32, #tpu.memory_space<hbm>>) target(%dma_start3A_67 : memref<128x32xf32, #tpu.memory_space<vmem>>) offsets(%dma_start3A_68 : memref<128xi32, #tpu.memory_space<vmem>>) semaphore(%arg7 : memref<!tpu.dma_semaphore, #tpu.memory_space<semaphore_mem>>)
      %mul3A_72 = arith.constant 10 : i32
      %mul3A_73 = arith.muli %scan3A_7, %mul3A_72 : i32
      %add3A_74 = arith.constant 5 : i32
      %add3A_75 = arith.addi %mul3A_73, %add3A_74 : i32
      %mul3A_76 = arith.constant 128 : i32
      %mul3A_77 = arith.muli %add3A_75, %mul3A_76 : i32
      %dma_start3A_78 = arith.constant 640 : i32
      %dma_start3A_79 = arith.constant 0 : i32
      %dma_start3A_80 = tpu.memref_slice %arg6[%dma_start3A_78, %dma_start3A_79] : memref<1280x32xf32, #tpu.memory_space<vmem>> -> memref<128x32xf32, #tpu.memory_space<vmem>>
      %dma_start3A_81 = tpu.memref_slice %arg5[%mul3A_77] : memref<6400xi32, #tpu.memory_space<vmem>> -> memref<128xi32, #tpu.memory_space<vmem>>
      %dma_start3A_82 = arith.constant 0 : i32
      %dma_start3A_83 = arith.constant 0 : i32
      %dma_start3A_84 = tpu.memref_slice %arg2[%dma_start3A_82, %dma_start3A_83] : memref<100000x32xf32, #tpu.memory_space<hbm>> -> memref<100000x32xf32, #tpu.memory_space<hbm>>
      tpu.enqueue_indirect_dma source(%dma_start3A_84 : memref<100000x32xf32, #tpu.memory_space<hbm>>) target(%dma_start3A_80 : memref<128x32xf32, #tpu.memory_space<vmem>>) offsets(%dma_start3A_81 : memref<128xi32, #tpu.memory_space<vmem>>) semaphore(%arg7 : memref<!tpu.dma_semaphore, #tpu.memory_space<semaphore_mem>>)
      %mul3A_85 = arith.constant 10 : i32
      %mul3A_86 = arith.muli %scan3A_7, %mul3A_85 : i32
      %add3A_87 = arith.constant 6 : i32
      %add3A_88 = arith.addi %mul3A_86, %add3A_87 : i32
      %mul3A_89 = arith.constant 128 : i32
      %mul3A_90 = arith.muli %add3A_88, %mul3A_89 : i32
      %dma_start3A_91 = arith.constant 768 : i32
      %dma_start3A_92 = arith.constant 0 : i32
      %dma_start3A_93 = tpu.memref_slice %arg6[%dma_start3A_91, %dma_start3A_92] : memref<1280x32xf32, #tpu.memory_space<vmem>> -> memref<128x32xf32, #tpu.memory_space<vmem>>
      %dma_start3A_94 = tpu.memref_slice %arg5[%mul3A_90] : memref<6400xi32, #tpu.memory_space<vmem>> -> memref<128xi32, #tpu.memory_space<vmem>>
      %dma_start3A_95 = arith.constant 0 : i32
      %dma_start3A_96 = arith.constant 0 : i32
      %dma_start3A_97 = tpu.memref_slice %arg2[%dma_start3A_95, %dma_start3A_96] : memref<100000x32xf32, #tpu.memory_space<hbm>> -> memref<100000x32xf32, #tpu.memory_space<hbm>>
      tpu.enqueue_indirect_dma source(%dma_start3A_97 : memref<100000x32xf32, #tpu.memory_space<hbm>>) target(%dma_start3A_93 : memref<128x32xf32, #tpu.memory_space<vmem>>) offsets(%dma_start3A_94 : memref<128xi32, #tpu.memory_space<vmem>>) semaphore(%arg7 : memref<!tpu.dma_semaphore, #tpu.memory_space<semaphore_mem>>)
      %mul3A_98 = arith.constant 10 : i32
      %mul3A_99 = arith.muli %scan3A_7, %mul3A_98 : i32
      %add3A_100 = arith.constant 7 : i32
      %add3A_101 = arith.addi %mul3A_99, %add3A_100 : i32
      %mul3A_102 = arith.constant 128 : i32
      %mul3A_103 = arith.muli %add3A_101, %mul3A_102 : i32
      %dma_start3A_104 = arith.constant 896 : i32
      %dma_start3A_105 = arith.constant 0 : i32
      %dma_start3A_106 = tpu.memref_slice %arg6[%dma_start3A_104, %dma_start3A_105] : memref<1280x32xf32, #tpu.memory_space<vmem>> -> memref<128x32xf32, #tpu.memory_space<vmem>>
      %dma_start3A_107 = tpu.memref_slice %arg5[%mul3A_103] : memref<6400xi32, #tpu.memory_space<vmem>> -> memref<128xi32, #tpu.memory_space<vmem>>
      %dma_start3A_108 = arith.constant 0 : i32
      %dma_start3A_109 = arith.constant 0 : i32
      %dma_start3A_110 = tpu.memref_slice %arg2[%dma_start3A_108, %dma_start3A_109] : memref<100000x32xf32, #tpu.memory_space<hbm>> -> memref<100000x32xf32, #tpu.memory_space<hbm>>
      tpu.enqueue_indirect_dma source(%dma_start3A_110 : memref<100000x32xf32, #tpu.memory_space<hbm>>) target(%dma_start3A_106 : memref<128x32xf32, #tpu.memory_space<vmem>>) offsets(%dma_start3A_107 : memref<128xi32, #tpu.memory_space<vmem>>) semaphore(%arg7 : memref<!tpu.dma_semaphore, #tpu.memory_space<semaphore_mem>>)
      %mul3A_111 = arith.constant 10 : i32
      %mul3A_112 = arith.muli %scan3A_7, %mul3A_111 : i32
      %add3A_113 = arith.constant 8 : i32
      %add3A_114 = arith.addi %mul3A_112, %add3A_113 : i32
      %mul3A_115 = arith.constant 128 : i32
      %mul3A_116 = arith.muli %add3A_114, %mul3A_115 : i32
      %dma_start3A_117 = arith.constant 1024 : i32
      %dma_start3A_118 = arith.constant 0 : i32
      %dma_start3A_119 = tpu.memref_slice %arg6[%dma_start3A_117, %dma_start3A_118] : memref<1280x32xf32, #tpu.memory_space<vmem>> -> memref<128x32xf32, #tpu.memory_space<vmem>>
      %dma_start3A_120 = tpu.memref_slice %arg5[%mul3A_116] : memref<6400xi32, #tpu.memory_space<vmem>> -> memref<128xi32, #tpu.memory_space<vmem>>
      %dma_start3A_121 = arith.constant 0 : i32
      %dma_start3A_122 = arith.constant 0 : i32
      %dma_start3A_123 = tpu.memref_slice %arg2[%dma_start3A_121, %dma_start3A_122] : memref<100000x32xf32, #tpu.memory_space<hbm>> -> memref<100000x32xf32, #tpu.memory_space<hbm>>
      tpu.enqueue_indirect_dma source(%dma_start3A_123 : memref<100000x32xf32, #tpu.memory_space<hbm>>) target(%dma_start3A_119 : memref<128x32xf32, #tpu.memory_space<vmem>>) offsets(%dma_start3A_120 : memref<128xi32, #tpu.memory_space<vmem>>) semaphore(%arg7 : memref<!tpu.dma_semaphore, #tpu.memory_space<semaphore_mem>>)
      %mul3A_124 = arith.constant 10 : i32
      %mul3A_125 = arith.muli %scan3A_7, %mul3A_124 : i32
      %add3A_126 = arith.constant 9 : i32
      %add3A_127 = arith.addi %mul3A_125, %add3A_126 : i32
      %mul3A_128 = arith.constant 128 : i32
      %mul3A_129 = arith.muli %add3A_127, %mul3A_128 : i32
      %dma_start3A_130 = arith.constant 1152 : i32
      %dma_start3A_131 = arith.constant 0 : i32
      %dma_start3A_132 = tpu.memref_slice %arg6[%dma_start3A_130, %dma_start3A_131] : memref<1280x32xf32, #tpu.memory_space<vmem>> -> memref<128x32xf32, #tpu.memory_space<vmem>>
      %dma_start3A_133 = tpu.memref_slice %arg5[%mul3A_129] : memref<6400xi32, #tpu.memory_space<vmem>> -> memref<128xi32, #tpu.memory_space<vmem>>
      %dma_start3A_134 = arith.constant 0 : i32
      %dma_start3A_135 = arith.constant 0 : i32
      %dma_start3A_136 = tpu.memref_slice %arg2[%dma_start3A_134, %dma_start3A_135] : memref<100000x32xf32, #tpu.memory_space<hbm>> -> memref<100000x32xf32, #tpu.memory_space<hbm>>
      tpu.enqueue_indirect_dma source(%dma_start3A_136 : memref<100000x32xf32, #tpu.memory_space<hbm>>) target(%dma_start3A_132 : memref<128x32xf32, #tpu.memory_space<vmem>>) offsets(%dma_start3A_133 : memref<128xi32, #tpu.memory_space<vmem>>) semaphore(%arg7 : memref<!tpu.dma_semaphore, #tpu.memory_space<semaphore_mem>>)
      %dma_wait3A = arith.constant 0 : i32
      %dma_wait3A_137 = arith.constant 0 : i32
      %dma_wait3A_138 = tpu.memref_slice %arg6[%dma_wait3A, %dma_wait3A_137] : memref<1280x32xf32, #tpu.memory_space<vmem>> -> memref<128x32xf32, #tpu.memory_space<vmem>>
      %dma_wait3A_139 = tpu.memref_slice %arg5[%mul3A_13] : memref<6400xi32, #tpu.memory_space<vmem>> -> memref<128xi32, #tpu.memory_space<vmem>>
      %dma_wait3A_140 = arith.constant 0 : i32
      %dma_wait3A_141 = arith.constant 0 : i32
      %dma_wait3A_142 = tpu.memref_slice %arg2[%dma_wait3A_140, %dma_wait3A_141] : memref<100000x32xf32, #tpu.memory_space<hbm>> -> memref<100000x32xf32, #tpu.memory_space<hbm>>
      tpu.wait_indirect_dma semaphore(%arg7 : memref<!tpu.dma_semaphore, #tpu.memory_space<semaphore_mem>>) src(%dma_wait3A_142 : memref<100000x32xf32, #tpu.memory_space<hbm>>) dst(%dma_wait3A_138 : memref<128x32xf32, #tpu.memory_space<vmem>>)
      %dma_wait3A_143 = arith.constant 128 : i32
      %dma_wait3A_144 = arith.constant 0 : i32
      %dma_wait3A_145 = tpu.memref_slice %arg6[%dma_wait3A_143, %dma_wait3A_144] : memref<1280x32xf32, #tpu.memory_space<vmem>> -> memref<128x32xf32, #tpu.memory_space<vmem>>
      %dma_wait3A_146 = tpu.memref_slice %arg5[%mul3A_25] : memref<6400xi32, #tpu.memory_space<vmem>> -> memref<128xi32, #tpu.memory_space<vmem>>
      %dma_wait3A_147 = arith.constant 0 : i32
      %dma_wait3A_148 = arith.constant 0 : i32
      %dma_wait3A_149 = tpu.memref_slice %arg2[%dma_wait3A_147, %dma_wait3A_148] : memref<100000x32xf32, #tpu.memory_space<hbm>> -> memref<100000x32xf32, #tpu.memory_space<hbm>>
      tpu.wait_indirect_dma semaphore(%arg7 : memref<!tpu.dma_semaphore, #tpu.memory_space<semaphore_mem>>) src(%dma_wait3A_149 : memref<100000x32xf32, #tpu.memory_space<hbm>>) dst(%dma_wait3A_145 : memref<128x32xf32, #tpu.memory_space<vmem>>)
      %dma_wait3A_150 = arith.constant 256 : i32
      %dma_wait3A_151 = arith.constant 0 : i32
      %dma_wait3A_152 = tpu.memref_slice %arg6[%dma_wait3A_150, %dma_wait3A_151] : memref<1280x32xf32, #tpu.memory_space<vmem>> -> memref<128x32xf32, #tpu.memory_space<vmem>>
      %dma_wait3A_153 = tpu.memref_slice %arg5[%mul3A_38] : memref<6400xi32, #tpu.memory_space<vmem>> -> memref<128xi32, #tpu.memory_space<vmem>>
      %dma_wait3A_154 = arith.constant 0 : i32
      %dma_wait3A_155 = arith.constant 0 : i32
      %dma_wait3A_156 = tpu.memref_slice %arg2[%dma_wait3A_154, %dma_wait3A_155] : memref<100000x32xf32, #tpu.memory_space<hbm>> -> memref<100000x32xf32, #tpu.memory_space<hbm>>
      tpu.wait_indirect_dma semaphore(%arg7 : memref<!tpu.dma_semaphore, #tpu.memory_space<semaphore_mem>>) src(%dma_wait3A_156 : memref<100000x32xf32, #tpu.memory_space<hbm>>) dst(%dma_wait3A_152 : memref<128x32xf32, #tpu.memory_space<vmem>>)
      %dma_wait3A_157 = arith.constant 384 : i32
      %dma_wait3A_158 = arith.constant 0 : i32
      %dma_wait3A_159 = tpu.memref_slice %arg6[%dma_wait3A_157, %dma_wait3A_158] : memref<1280x32xf32, #tpu.memory_space<vmem>> -> memref<128x32xf32, #tpu.memory_space<vmem>>
      %dma_wait3A_160 = tpu.memref_slice %arg5[%mul3A_51] : memref<6400xi32, #tpu.memory_space<vmem>> -> memref<128xi32, #tpu.memory_space<vmem>>
      %dma_wait3A_161 = arith.constant 0 : i32
      %dma_wait3A_162 = arith.constant 0 : i32
      %dma_wait3A_163 = tpu.memref_slice %arg2[%dma_wait3A_161, %dma_wait3A_162] : memref<100000x32xf32, #tpu.memory_space<hbm>> -> memref<100000x32xf32, #tpu.memory_space<hbm>>
      tpu.wait_indirect_dma semaphore(%arg7 : memref<!tpu.dma_semaphore, #tpu.memory_space<semaphore_mem>>) src(%dma_wait3A_163 : memref<100000x32xf32, #tpu.memory_space<hbm>>) dst(%dma_wait3A_159 : memref<128x32xf32, #tpu.memory_space<vmem>>)
      %dma_wait3A_164 = arith.constant 512 : i32
      %dma_wait3A_165 = arith.constant 0 : i32
      %dma_wait3A_166 = tpu.memref_slice %arg6[%dma_wait3A_164, %dma_wait3A_165] : memref<1280x32xf32, #tpu.memory_space<vmem>> -> memref<128x32xf32, #tpu.memory_space<vmem>>
      %dma_wait3A_167 = tpu.memref_slice %arg5[%mul3A_64] : memref<6400xi32, #tpu.memory_space<vmem>> -> memref<128xi32, #tpu.memory_space<vmem>>
      %dma_wait3A_168 = arith.constant 0 : i32
      %dma_wait3A_169 = arith.constant 0 : i32
      %dma_wait3A_170 = tpu.memref_slice %arg2[%dma_wait3A_168, %dma_wait3A_169] : memref<100000x32xf32, #tpu.memory_space<hbm>> -> memref<100000x32xf32, #tpu.memory_space<hbm>>
      tpu.wait_indirect_dma semaphore(%arg7 : memref<!tpu.dma_semaphore, #tpu.memory_space<semaphore_mem>>) src(%dma_wait3A_170 : memref<100000x32xf32, #tpu.memory_space<hbm>>) dst(%dma_wait3A_166 : memref<128x32xf32, #tpu.memory_space<vmem>>)
      %dma_wait3A_171 = arith.constant 640 : i32
      %dma_wait3A_172 = arith.constant 0 : i32
      %dma_wait3A_173 = tpu.memref_slice %arg6[%dma_wait3A_171, %dma_wait3A_172] : memref<1280x32xf32, #tpu.memory_space<vmem>> -> memref<128x32xf32, #tpu.memory_space<vmem>>
      %dma_wait3A_174 = tpu.memref_slice %arg5[%mul3A_77] : memref<6400xi32, #tpu.memory_space<vmem>> -> memref<128xi32, #tpu.memory_space<vmem>>
      %dma_wait3A_175 = arith.constant 0 : i32
      %dma_wait3A_176 = arith.constant 0 : i32
      %dma_wait3A_177 = tpu.memref_slice %arg2[%dma_wait3A_175, %dma_wait3A_176] : memref<100000x32xf32, #tpu.memory_space<hbm>> -> memref<100000x32xf32, #tpu.memory_space<hbm>>
      tpu.wait_indirect_dma semaphore(%arg7 : memref<!tpu.dma_semaphore, #tpu.memory_space<semaphore_mem>>) src(%dma_wait3A_177 : memref<100000x32xf32, #tpu.memory_space<hbm>>) dst(%dma_wait3A_173 : memref<128x32xf32, #tpu.memory_space<vmem>>)
      %dma_wait3A_178 = arith.constant 768 : i32
      %dma_wait3A_179 = arith.constant 0 : i32
      %dma_wait3A_180 = tpu.memref_slice %arg6[%dma_wait3A_178, %dma_wait3A_179] : memref<1280x32xf32, #tpu.memory_space<vmem>> -> memref<128x32xf32, #tpu.memory_space<vmem>>
      %dma_wait3A_181 = tpu.memref_slice %arg5[%mul3A_90] : memref<6400xi32, #tpu.memory_space<vmem>> -> memref<128xi32, #tpu.memory_space<vmem>>
      %dma_wait3A_182 = arith.constant 0 : i32
      %dma_wait3A_183 = arith.constant 0 : i32
      %dma_wait3A_184 = tpu.memref_slice %arg2[%dma_wait3A_182, %dma_wait3A_183] : memref<100000x32xf32, #tpu.memory_space<hbm>> -> memref<100000x32xf32, #tpu.memory_space<hbm>>
      tpu.wait_indirect_dma semaphore(%arg7 : memref<!tpu.dma_semaphore, #tpu.memory_space<semaphore_mem>>) src(%dma_wait3A_184 : memref<100000x32xf32, #tpu.memory_space<hbm>>) dst(%dma_wait3A_180 : memref<128x32xf32, #tpu.memory_space<vmem>>)
      %dma_wait3A_185 = arith.constant 896 : i32
      %dma_wait3A_186 = arith.constant 0 : i32
      %dma_wait3A_187 = tpu.memref_slice %arg6[%dma_wait3A_185, %dma_wait3A_186] : memref<1280x32xf32, #tpu.memory_space<vmem>> -> memref<128x32xf32, #tpu.memory_space<vmem>>
      %dma_wait3A_188 = tpu.memref_slice %arg5[%mul3A_103] : memref<6400xi32, #tpu.memory_space<vmem>> -> memref<128xi32, #tpu.memory_space<vmem>>
      %dma_wait3A_189 = arith.constant 0 : i32
      %dma_wait3A_190 = arith.constant 0 : i32
      %dma_wait3A_191 = tpu.memref_slice %arg2[%dma_wait3A_189, %dma_wait3A_190] : memref<100000x32xf32, #tpu.memory_space<hbm>> -> memref<100000x32xf32, #tpu.memory_space<hbm>>
      tpu.wait_indirect_dma semaphore(%arg7 : memref<!tpu.dma_semaphore, #tpu.memory_space<semaphore_mem>>) src(%dma_wait3A_191 : memref<100000x32xf32, #tpu.memory_space<hbm>>) dst(%dma_wait3A_187 : memref<128x32xf32, #tpu.memory_space<vmem>>)
      %dma_wait3A_192 = arith.constant 1024 : i32
      %dma_wait3A_193 = arith.constant 0 : i32
      %dma_wait3A_194 = tpu.memref_slice %arg6[%dma_wait3A_192, %dma_wait3A_193] : memref<1280x32xf32, #tpu.memory_space<vmem>> -> memref<128x32xf32, #tpu.memory_space<vmem>>
      %dma_wait3A_195 = tpu.memref_slice %arg5[%mul3A_116] : memref<6400xi32, #tpu.memory_space<vmem>> -> memref<128xi32, #tpu.memory_space<vmem>>
      %dma_wait3A_196 = arith.constant 0 : i32
      %dma_wait3A_197 = arith.constant 0 : i32
      %dma_wait3A_198 = tpu.memref_slice %arg2[%dma_wait3A_196, %dma_wait3A_197] : memref<100000x32xf32, #tpu.memory_space<hbm>> -> memref<100000x32xf32, #tpu.memory_space<hbm>>
      tpu.wait_indirect_dma semaphore(%arg7 : memref<!tpu.dma_semaphore, #tpu.memory_space<semaphore_mem>>) src(%dma_wait3A_198 : memref<100000x32xf32, #tpu.memory_space<hbm>>) dst(%dma_wait3A_194 : memref<128x32xf32, #tpu.memory_space<vmem>>)
      %dma_wait3A_199 = arith.constant 1152 : i32
      %dma_wait3A_200 = arith.constant 0 : i32
      %dma_wait3A_201 = tpu.memref_slice %arg6[%dma_wait3A_199, %dma_wait3A_200] : memref<1280x32xf32, #tpu.memory_space<vmem>> -> memref<128x32xf32, #tpu.memory_space<vmem>>
      %dma_wait3A_202 = tpu.memref_slice %arg5[%mul3A_129] : memref<6400xi32, #tpu.memory_space<vmem>> -> memref<128xi32, #tpu.memory_space<vmem>>
      %dma_wait3A_203 = arith.constant 0 : i32
      %dma_wait3A_204 = arith.constant 0 : i32
      %dma_wait3A_205 = tpu.memref_slice %arg2[%dma_wait3A_203, %dma_wait3A_204] : memref<100000x32xf32, #tpu.memory_space<hbm>> -> memref<100000x32xf32, #tpu.memory_space<hbm>>
      tpu.wait_indirect_dma semaphore(%arg7 : memref<!tpu.dma_semaphore, #tpu.memory_space<semaphore_mem>>) src(%dma_wait3A_205 : memref<100000x32xf32, #tpu.memory_space<hbm>>) dst(%dma_wait3A_201 : memref<128x32xf32, #tpu.memory_space<vmem>>)
      %mul3A_206 = arith.constant 1280 : i32
      %mul3A_207 = arith.muli %scan3A_7, %mul3A_206 : i32
      %add3A_208 = arith.addi %mul3A_2, %mul3A_207 : i32
      "tpu.region"() ({
        %run_scoped3A = tpu.sem_alloc : memref<!tpu.dma_semaphore, #tpu.memory_space<semaphore_mem>>
        %dma_start3A_209 = arith.constant 0 : i32
        %dma_start3A_210 = tpu.memref_slice %arg4[%add3A_208, %dma_start3A_209] : memref<204800x32xf32, #tpu.memory_space<hbm>> -> memref<1280x32xf32, #tpu.memory_space<hbm>>
        %dma_start3A_211 = arith.constant 0 : i32
        %dma_start3A_212 = tpu.memref_slice %arg4[%add3A_208, %dma_start3A_211] : memref<204800x32xf32, #tpu.memory_space<hbm>> -> memref<1280x32xf32, #tpu.memory_space<hbm>>
        tpu.enqueue_dma source(%arg6 : memref<1280x32xf32, #tpu.memory_space<vmem>>) target(%dma_start3A_212 : memref<1280x32xf32, #tpu.memory_space<hbm>>) target_semaphore(%run_scoped3A : memref<!tpu.dma_semaphore, #tpu.memory_space<semaphore_mem>>)
        %dma_wait3A_213 = arith.constant 0 : i32
        %dma_wait3A_214 = tpu.memref_slice %arg4[%add3A_208, %dma_wait3A_213] : memref<204800x32xf32, #tpu.memory_space<hbm>> -> memref<1280x32xf32, #tpu.memory_space<hbm>>
        %dma_wait3A_215 = arith.constant 0 : i32
        %dma_wait3A_216 = tpu.memref_slice %arg4[%add3A_208, %dma_wait3A_215] : memref<204800x32xf32, #tpu.memory_space<hbm>> -> memref<1280x32xf32, #tpu.memory_space<hbm>>
        tpu.wait_dma2 semaphore(%run_scoped3A : memref<!tpu.dma_semaphore, #tpu.memory_space<semaphore_mem>>) src(%arg6 : memref<1280x32xf32, #tpu.memory_space<vmem>>) dst(%dma_wait3A_216 : memref<1280x32xf32, #tpu.memory_space<hbm>>)
        tpu.yield
      }) : () -> ()
    }
    %scan3A_6 = arith.constant 5 : i32
    return
  }
}

module attributes {stable_mosaic.version = 14 : i64} {
  func.func @_concat_kernel(%arg0: i32, %arg1: memref<2048x128xf32, #tpu.memory_space<vmem>>, %arg2: memref<2048x32xf32, #tpu.memory_space<vmem>>, %arg3: memref<2048x160xf32, #tpu.memory_space<vmem>>) attributes {dimension_semantics = [#tpu.dimension_semantics<arbitrary>], iteration_bounds = array<i64: 100>, scalar_prefetch = 0 : i64, scratch_operands = 0 : i64, tpu.core_type = #tpu.core_type<tc>, window_params = [{transform_indices = @transform_0, window_bounds = array<i64: 2048, 128>}, {transform_indices = @transform_1, window_bounds = array<i64: 2048, 32>}, {transform_indices = @transform_2, window_bounds = array<i64: 2048, 160>}]} {
    %get3A = arith.constant 0 : index
    %get3A_0 = arith.constant 0 : index
    %get3A_1 = vector.load %arg1[%get3A, %get3A_0] : memref<2048x128xf32, #tpu.memory_space<vmem>>, vector<2048x128xf32>
    %swap3A = arith.constant 0 : index
    %swap3A_2 = arith.constant 0 : index
    %swap3A_3 = vector.load %arg3[%swap3A, %swap3A_2] : memref<2048x160xf32, #tpu.memory_space<vmem>>, vector<2048x128xf32>
    tpu.vector_store %arg3[%swap3A, %swap3A_2], %get3A_1 {strides = array<i32>} : memref<2048x160xf32, #tpu.memory_space<vmem>>, vector<2048x128xf32>,
    %get3A_4 = arith.constant 0 : index
    %get3A_5 = arith.constant 0 : index
    %get3A_6 = vector.load %arg2[%get3A_4, %get3A_5] : memref<2048x32xf32, #tpu.memory_space<vmem>>, vector<2048x32xf32>
    %swap3A_7 = arith.constant 0 : index
    %swap3A_8 = arith.constant 128 : index
    %swap3A_9 = vector.load %arg3[%swap3A_7, %swap3A_8] : memref<2048x160xf32, #tpu.memory_space<vmem>>, vector<2048x32xf32>
    tpu.vector_store %arg3[%swap3A_7, %swap3A_8], %get3A_6 {strides = array<i32>} : memref<2048x160xf32, #tpu.memory_space<vmem>>, vector<2048x32xf32>,
    return
  }
  func.func @transform_0(%arg0: i32) -> (i32, i32) {
    %c0_i32 = arith.constant 0 : i32
    %c0_i32_0 = arith.constant 0 : i32
    return %arg0, %c0_i32 : i32, i32
  }
  func.func @transform_1(%arg0: i32) -> (i32, i32) {
    %c0_i32 = arith.constant 0 : i32
    %c0_i32_0 = arith.constant 0 : i32
    return %arg0, %c0_i32 : i32, i32
  }
  func.func @transform_2(%arg0: i32) -> (i32, i32) {
    %c0_i32 = arith.constant 0 : i32
    %c0_i32_0 = arith.constant 0 : i32
    return %arg0, %c0_i32 : i32, i32
  }
}

</mosaic_0001>

<sc_bundles>
// kernel: kernel.4.cloned.1.call-start
scs
__scs_entry_jumppad:
0x0: {  	(pc) =	sbr.rel $0x88, $3  }
0x1: {  	(tag) =	ssettag $0x0;
	lr =	simm.s32 $0x1  }
0x2: {  	[smem:$0x3F9E] =	sst lr;
	_ =	strace $0xD0000000  }
0x3: {  	_ = 	snop  }
0x4: {  	_ = 	snop  }
0x5: {  	_ = 	snop  }
0x6: {  	_ = 	snop  }
0x7: {  	_ = 	snop  }
__scs_overlays_trampoline_lowered:
0x8: {  	[smem:$0x3FAD] =	sst s0  }
0x9: {  	[smem:$0x3FAE] =	sst s1  }
0xa: {  	[smem:$0x3FAF] =	sst s2  }
0xb: {  	[smem:$0x3FB0] =	sst s3  }
0xc: {  	[smem:$0x3FB1] =	sst s4  }
0xd: {  	[smem:$0x3FB2] =	sst s5  }
0xe: {  	[smem:$0x3FB3] =	sst s6  }
0xf: {  	[smem:$0x3FB4] =	sst s7  }
0x10: {  	[smem:$0x3FB5] =	sst s8  }
0x11: {  	[smem:$0x3FB6] =	sst s9;
	s0 =	simm.s32 @!p0 $0x0  }
0x12: {  	s1 =	sld [smem:$0x3F9C];
	s0 =	simm.s32 @p0 $0x1  }
0x13: {  	[smem:$0x3FB7] =	sst s0;
	s0 =	simm.s32 @!p1 $0x0  }
0x14: {  	s2 =	sld [smem:$0x3F9B];
	s0 =	simm.s32 @p1 $0x1  }
0x15: {  	[smem:$0x3FB8] =	sst s0;
	s0 =	simm.s32 @!p2 $0x0  }
0x16: {  	s3 =	sld [smem:$0x3FDB];
	s0 =	simm.s32 @p2 $0x1  }
0x17: {  	s4 =	simm.s32 $0x1BF5;
	[smem:$0x3FBA] =	sst s0  }
0x18: {  	s0 =	sld [smem:$0x3F9D];
	_ =	swait.ge [sflag:s4], $0x0  }
0x19: {  	s7 =	sld [smem:$0x3F9E]  }
0x1a: {  	s8 =	sadd.s32 $0xFFFFE003, lr  }
0x1b: {  	s9 =	sadd.s32 $0xFFFFFEF7, lr;
	s5 =	simm.s32 $0xFFFFFFFF;
	p2 =	slt.u32 s8, $0xFFFFF086  }
0x1c: {  	p1 =	slt.u32 s9, $0xF7A;
	s5 =	simm.s32 @!p2 $0x0  }
0x1d: {  	s5 =	simm.s32 @p1 $0x1;
	p0 =	seq.s32 s7, s2  }
0x1e: {  	s7 =	smul.u32 @!p0 $0xF7A, s2;
	p2 =	seq.s32 @!p0 s5, $0x0  }
0x1f: {  	s9 =	smul.u32 $0xF7A, s1;
	s8 =	simm.s32 @!p0 $0x1BF5;
	p2 =	por !p2, p0  }
0x20: {  	[sflag:s8] =	ssyncset.s32 @!p0 $0xFFFFF086;
	s6 =	sadd.s32 @!p0 s3, s7;
	s7 =	simm.s32 @!p0 $0x108  }
0x21: {  	s3 =	sadd.s32 s3, s9;
	s6 =	sadd.s32 @!p0 $0x88, s6;
	s7 =	simm.s32 @p2 $0x1082  }
0x22: {  	[simem:s7], [sflag:s8] =	dma.local @!p0 [hbm:s6], $0xF7A  }
0x23: {  	s9 =	sor.u32 $0xD0000000, s2;
	s6 =	simm.s32 $0x108;
	_ =	swait.ge @!p0 [sflag:s8], $0x0  }
0x24: {  	s3 =	sadd.s32 $0x88, s3;
	s6 =	simm.s32 @!p1 $0x1082;
	[sflag:s4] =	ssyncset.s32 $0xFFFFF086  }
0x25: {  	[simem:s6], [sflag:s4] =	dma.local [hbm:s3], $0xF7A  }
0x26: {  	[smem:$0x3F9E] =	sst s1;
	(tag) =	ssettag s2;
	_ =	strace s9  }
0x27: {  	s1 =	sld [smem:$0x3FAE]  }
0x28: {  	s2 =	sld [smem:$0x3FAF]  }
0x29: {  	s4 =	sld [smem:$0x3FB1]  }
0x2a: {  	p0 =	seq.s32 s5, $0x0;
	s5 =	sld [smem:$0x3FB2]  }
0x2b: {  	s6 =	sld [smem:$0x3FB3]  }
0x2c: {  	s7 =	sld [smem:$0x3FB4]  }
0x2d: {  	s3 =	simm.s32 $0x108;
	s8 =	sld [smem:$0x3FB5]  }
0x2e: {  	s3 =	simm.s32 @!p0 $0x1082;
	s9 =	sld [smem:$0x3FB6]  }
0x2f: {  	lr =	sadd.s32 s0, s3;
	s0 =	sld [smem:$0x3FAD]  }
0x30: {  	s3 =	sld [smem:$0x3FB0]  }
0x31: {  	[smem:$0x3FB9] =	sst s10  }
0x32: {  	s10 =	sld [smem:$0x3FB7];
	_ =	sdelay $0x3  }
0x33: {  	p0 =	seq.s32 s10, $0x1;
	s10 =	sld [smem:$0x3FB9];
	_ =	sdelay $0x3  }
0x34: {  	[smem:$0x3FB9] =	sst s10  }
0x35: {  	s10 =	sld [smem:$0x3FB8];
	_ =	sdelay $0x3  }
0x36: {  	p1 =	seq.s32 s10, $0x1;
	s10 =	sld [smem:$0x3FB9];
	_ =	sdelay $0x3  }
0x37: {  	[smem:$0x3FB9] =	sst s10  }
0x38: {  	s10 =	sld [smem:$0x3FBA]  }
0x39: {  	_ = 	snop;
	(pc) =	sbr.ind lr, $3  }
0x3a: {  	_ = 	snop  }
0x3b: {  	_ = 	snop  }
0x3c: {  	p2 =	seq.s32 s10, $0x1;
	s10 =	sld [smem:$0x3FB9]  }
0x3d: {  	_ =	shalt  }
0x3e: {  	_ =	shalt  }
0x3f: {  	_ =	shalt  }
0x40: {  	_ =	shalt  }
0x41: {  	_ =	shalt  }
0x42: {  	_ =	shalt  }
0x43: {  	_ =	shalt  }
0x44: {  	_ =	shalt  }
0x45: {  	_ =	shalt  }
0x46: {  	_ =	shalt  }
0x47: {  	_ =	shalt  }
0x48: {  	_ =	shalt  }
0x49: {  	_ =	shalt  }
0x4a: {  	_ =	shalt  }
0x4b: {  	_ =	shalt  }
0x4c: {  	_ =	shalt  }
0x4d: {  	_ =	shalt  }
0x4e: {  	_ =	shalt  }
0x4f: {  	_ =	shalt  }
0x50: {  	_ =	shalt  }
0x51: {  	_ =	shalt  }
0x52: {  	_ =	shalt  }
0x53: {  	_ =	shalt  }
0x54: {  	_ =	shalt  }
0x55: {  	_ =	shalt  }
0x56: {  	_ =	shalt  }
0x57: {  	_ =	shalt  }
0x58: {  	_ =	shalt  }
0x59: {  	_ =	shalt  }
0x5a: {  	_ =	shalt  }
0x5b: {  	_ =	shalt  }
0x5c: {  	_ =	shalt  }
0x5d: {  	_ =	shalt  }
0x5e: {  	_ =	shalt  }
0x5f: {  	_ =	shalt  }
0x60: {  	_ =	shalt  }
0x61: {  	_ =	shalt  }
0x62: {  	_ =	shalt  }
0x63: {  	_ =	shalt  }
0x64: {  	_ =	shalt  }
0x65: {  	_ =	shalt  }
0x66: {  	_ =	shalt  }
0x67: {  	_ =	shalt  }
0x68: {  	_ =	shalt  }
0x69: {  	_ =	shalt  }
0x6a: {  	_ =	shalt  }
0x6b: {  	_ =	shalt  }
0x6c: {  	_ =	shalt  }
0x6d: {  	_ =	shalt  }
0x6e: {  	_ =	shalt  }
0x6f: {  	_ =	shalt  }
0x70: {  	_ =	shalt  }
0x71: {  	_ =	shalt  }
0x72: {  	_ =	shalt  }
0x73: {  	_ =	shalt  }
0x74: {  	_ =	shalt  }
0x75: {  	_ =	shalt  }
0x76: {  	_ =	shalt  }
0x77: {  	_ =	shalt  }
0x78: {  	_ =	shalt  }
0x79: {  	_ =	shalt  }
0x7a: {  	_ =	shalt  }
0x7b: {  	_ =	shalt  }
0x7c: {  	_ =	shalt  }
0x7d: {  	_ =	shalt  }
0x7e: {  	_ =	shalt  }
0x7f: {  	_ =	shalt  }
0x80: {  	_ =	shalt  }
0x81: {  	_ =	shalt  }
0x82: {  	_ =	shalt  }
0x83: {  	_ =	shalt  }
0x84: {  	_ =	shalt  }
0x85: {  	_ =	shalt  }
0x86: {  	_ =	shalt  }
0x87: {  	_ =	shalt  }
.Lfunc_end0:
.L_simem_size_0:
called_computation.1_lowered:
.L_overlay_start_0:
0x88: {  	s2 =	sld [smem:$0x3FD9]  }
0x89: {  	s3 =	sld [smem:$0x3FFE];
	_ =	sdelay $0x1  }
0x8a: {  	s1 =	srdreg.scid  }
0x8b: {  	s0 =	sand.u32 $0x1, s1  }
0x8c: {  	s16 =	sshll.u32 s0, $0xA;
	s2 =	sadd.s32 s3, s2  }
0x8d: {  	s2 =	sadd.s32 s2, s16  }
0x8e: {  	[smem:$0x3FC5] =	sst s2  }
0x8f: {  	_ = 	snop  }
0x90: {  	(tm) =	ssettm $0x1  }
0x91: {  	s17 =	sld [smem:$0x3FFB];
	_ =	sdelay $0x3  }
0x92: {  	_ =	strace s17  }
0x93: {  	s2 =	sld [smem:$0x3FFC];
	_ =	sdelay $0x3  }
0x94: {  	_ =	strace s2  }
0x95: {  	s2 =	sld [smem:$0x3FFD];
	_ =	sdelay $0x3  }
0x96: {  	_ =	strace s2  }
0x97: {  	_ =	strace $0x8FFFFFFF  }
0x98: {  	s18 =	sld [smem:$0x3FDB];
	_ =	sdelay $0x1  }
0x99: {  	s19 =	simm.s32 $_scs_section_size  }
0x9a: {  	s4 =	simm.s32 $_size__tile_overlayer_lowered;
	s5 =	simm.s32 $_tile_overlayer_lowered  }
0x9b: {  	s22 =	simm.s32 $0x1BFF;
	s21 =	sshll.u32 s5, $0x1;
	s2 =	sadd.s32 s19, s18  }
0x9c: {  	s6 =	simm.s32 $0x0;
	s20 =	sshll.u32 s4, $0x1;
	s4 =	sadd.s32 s21, s2  }
0x9d: {  	[timem:s6], [sflag:s22] =	dma.local [hbm:s4], s20  }
0x9e: {  	_ =	swait.ge [sflag:s22], s20  }
0x9f: {  	s3 =	ssub.s32 $0x0, s20;
	[sflag:s22] =	ssyncset.done $0x0  }
0xa0: {  	[sflag:s22] =	ssyncadd.s32 s3;
	_ =	sdelay $0x1  }
0xa1: {  	s23 =	simm.s32 $0x1B8B  }
0xa2: {  	_ =	swait.ge [sflag:s23], $0x1  }
0xa3: {  	[sflag:s23] =	ssyncset.done $0x0  }
0xa4: {  	s25 =	simm.s32 $0x1B8E;
	s24 =	sld [smem:$0x3FFE];
	[sflag:s23] =	ssyncadd.s32 $0xFFFFFFFF  }
0xa5: {  	s26 =	simm.s32 $execute0_lowered;
	[smem:$0x3FD2] =	sst s25  }
0xa6: {  	s4 =	sshll.u32 s26, $0x1;
	_ =	strace $0x80000046;
	[dreg:$0x1] =	wrdreg $0xFFFFFFFF  }
0xa7: {  	s28 =	simm.s32 $_size_execute0_lowered;
	s2 =	sadd.s32 s2, s4;
	[dreg:$0x0] =	wrdreg $0x0  }
0xa8: {  	s4 =	sshll.u32 s28, $0x1;
	[dreg:$0x2] =	wrdreg s2  }
0xa9: {  	[dreg:$0x3] =	wrdreg s4  }
0xaa: {  	[dreg:$0x4] =	wrdreg $0xC0  }
0xab: {  	_ =	task [dreg:s6], $0x5FFFF  }
0xac: {  	[dreg:$0x1] =	wrdreg $0xFFFFFFFF  }
0xad: {  	[dreg:$0x0] =	wrdreg $0x60  }
0xae: {  	[dreg:$0x2] =	wrdreg s24  }
0xaf: {  	[dreg:$0x3] =	wrdreg $0x9  }
0xb0: {  	_ =	task.clear_ibuf [dreg:s6], $0x4FFFF;
	_ =	strace $0x90000046  }
0xb1: {  	s29 =	simm.s32 $0x9;
	_ =	strace $0x80000048  }
0xb2: {  	_ =	swait.ge [sflag:s29], $0x1  }
0xb3: {  	[sflag:s29] =	ssyncadd.s32 $0xFFFFFFFF  }
0xb4: {  	_ =	strace $0x90000048  }
0xb5: {  	_ =	sfence  }
0xb6: {  	s30 =	sld [smem:$0x0];
	_ =	sdelay $0x2  }
0xb7: {  	s31 =	sshll.u32 s1, $0xD;
	s1 =	sshrl.u32 s1, $0x2  }
0xb8: {  	s3 =	sand.u32 $0x4000, s31;
	s1 =	sadd.s32 s1, s30  }
0xb9: {  	s0 =	sor.u32 s3, s0;
	s1 =	sshll.u32 s1, $0x11  }
0xba: {  	s0 =	sor.u32 s1, s0  }
0xbb: {  	s0 =	sadd.s32 $0x8F2B, s0  }
0xbc: {  	[sflag:s0] =	ssyncadd.remote.s32 $0x1  }
0xbd: {  	_ =	sfence.sel $0xFFFF  }
0xbe: {  	[dreg:$0x0] =	wrdreg $0xFFFFFFFF;
	(pc) =	sbr.abs _section_cstart, $3  }
0xbf: {  	[dreg:$0x1] =	wrdreg $0xFFFFFFFF  }
0xc0: {  	_ =	task.clear_ibuf [dreg:s6], $0x2FFFF;
	_ =	strace $0x9FFFFFFF  }
0xc1: {  	(tm) =	ssettm $0x7FFFFFFF  }
tec
execute0_lowered:
.L_overlay_start_1:
0x0: {  	(tag) =	ssettag $0x1  }
0x1: {  	s4 =	rddreg [dreg:$0x0]  }
0x2: {  	s0 =	rddreg [dreg:$0x1]  }
0x3: {  	s3 =	srdreg.scid;
	s1 =	stileid.u32;
	s2 =	simm.s32 $0x0  }
0x4: {  	s11 =	simm.s32 $0x3900;
	s12 =	simm.s32 $0x4900;
	s13 =	simm.s32 $0x5900  }
0x5: {  	s14 =	simm.s32 $0x6900;
	s15 =	simm.s32 $0x7900;
	s16 =	simm.s32 $0x8900  }
0x6: {  	s17 =	simm.s32 $0x9900;
	s18 =	simm.s32 $0xA900;
	s19 =	simm.s32 $0x1  }
0x7: {  	s20 =	simm.s32 $0x0;
	s5 =	sand.u32 $0x1, s3;
	s28 =	sshll.u32 s1, $0x1  }
0x8: {  	[smem:$0x7FF] =	sst s2;
	s7 =	smul.u32 $0xC800, s1;
	s3 =	sor.u32 s5, s28  }
0x9: {  	_ =	strace $0x80000047;
	s8 =	ssub.s32 $0x2, s5;
	s10 =	smul.u32 $0x6400, s5  }
0xa: {  	s6 =	smul.u32 $0x1900, s3;
	s3 =	sadd.s32 $0x6C00, s4;
	s9 =	sshrl.u32 s8, $0x1  }
0xb: {  	s30 =	sadd.s32 s7, s4;
	s7 =	simm.s32 $0x2;
	s31 =	ssub.s32 s8, s9  }
0xc: {  	s8 =	simm.s32 $0x80;
	s9 =	simm.s32 $0x1900;
	s6 =	sshrl.u32 s6, $0x3  }
0xd: {  	s5 =	smax.u32 s31, $0x1;
	s29 =	sadd.s32 s6, s4;
	s6 =	sadd.s32 s10, s30  }
0xe: {  	s10 =	simm.s32 $0x2900;
	s4 =	sadd.s32 $0x800, s29;
	s6 =	sadd.s32 $0x68800, s6  }
.LBB2_1:
0xf: {  	[tilespmem:s2], [sflag:$0x2] =	stream.linear.gather [hbm4b:s4+s2], $0x1900, $0x38;
	[tilespmem:$0xB900] =	vst v63  }
0x10: {  	_ =	swait.ge [sflag:s7], $0x1900  }
0x11: {  	[sflag:s7] =	ssyncset.done $0x0  }
0x12: {  	s21 =	simm.s32 $0x0;
	[sflag:s7] =	ssyncadd.s32 $0xFFFFE700  }
0x13: {  	[tilespmem:s9], [sflag:$0x1] =	stream.indirect.gather [hbm4b:s3+s8], $0x20, s21, s8, $0xb8;
	[tilespmem:$0xB900] =	vst v63  }
0x14: {  	s31 =	simm.s32 $0x80  }
0x15: {  	[tilespmem:s10], [sflag:$0x1] =	stream.indirect.gather [hbm4b:s3+s8], $0x20, s31, s8, $0xb8;
	[tilespmem:$0xB900] =	vst v63  }
0x16: {  	s22 =	simm.s32 $0x100  }
0x17: {  	[tilespmem:s11], [sflag:$0x1] =	stream.indirect.gather [hbm4b:s3+s8], $0x20, s22, s8, $0xb8;
	[tilespmem:$0xB900] =	vst v63  }
0x18: {  	s23 =	simm.s32 $0x180  }
0x19: {  	[tilespmem:s12], [sflag:$0x1] =	stream.indirect.gather [hbm4b:s3+s8], $0x20, s23, s8, $0xb8;
	[tilespmem:$0xB900] =	vst v63  }
0x1a: {  	s24 =	simm.s32 $0x200  }
0x1b: {  	[tilespmem:s13], [sflag:$0x1] =	stream.indirect.gather [hbm4b:s3+s8], $0x20, s24, s8, $0xb8;
	[tilespmem:$0xB900] =	vst v63  }
0x1c: {  	s25 =	simm.s32 $0x280  }
0x1d: {  	[tilespmem:s14], [sflag:$0x1] =	stream.indirect.gather [hbm4b:s3+s8], $0x20, s25, s8, $0xb8;
	[tilespmem:$0xB900] =	vst v63  }
0x1e: {  	s26 =	simm.s32 $0x300  }
0x1f: {  	[tilespmem:s15], [sflag:$0x1] =	stream.indirect.gather [hbm4b:s3+s8], $0x20, s26, s8, $0xb8;
	[tilespmem:$0xB900] =	vst v63  }
0x20: {  	s28 =	simm.s32 $0x380  }
0x21: {  	[tilespmem:s16], [sflag:$0x1] =	stream.indirect.gather [hbm4b:s3+s8], $0x20, s28, s8, $0xb8;
	[tilespmem:$0xB900] =	vst v63  }
0x22: {  	s29 =	simm.s32 $0x400  }
0x23: {  	[tilespmem:s17], [sflag:$0x1] =	stream.indirect.gather [hbm4b:s3+s8], $0x20, s29, s8, $0xb8;
	[tilespmem:$0xB900] =	vst v63  }
0x24: {  	s30 =	simm.s32 $0x480  }
0x25: {  	[tilespmem:s18], [sflag:$0x1] =	stream.indirect.gather [hbm4b:s3+s8], $0x20, s30, s8, $0xb8;
	[tilespmem:$0xB900] =	vst v63  }
0x26: {  	_ =	swait.ge [sflag:s19], $0x1000  }
0x27: {  	[sflag:s19] =	ssyncset.done $0x0  }
0x28: {  	[sflag:s19] =	ssyncadd.s32 $0xFFFFF000  }
0x29: {  	_ =	swait.ge [sflag:s19], $0x1000  }
0x2a: {  	[sflag:s19] =	ssyncset.done $0x0  }
0x2b: {  	[sflag:s19] =	ssyncadd.s32 $0xFFFFF000  }
0x2c: {  	_ =	swait.ge [sflag:s19], $0x1000  }
0x2d: {  	[sflag:s19] =	ssyncset.done $0x0  }
0x2e: {  	[sflag:s19] =	ssyncadd.s32 $0xFFFFF000  }
0x2f: {  	_ =	swait.ge [sflag:s19], $0x1000  }
0x30: {  	[sflag:s19] =	ssyncset.done $0x0  }
0x31: {  	[sflag:s19] =	ssyncadd.s32 $0xFFFFF000  }
0x32: {  	_ =	swait.ge [sflag:s19], $0x1000  }
0x33: {  	[sflag:s19] =	ssyncset.done $0x0  }
0x34: {  	[sflag:s19] =	ssyncadd.s32 $0xFFFFF000  }
0x35: {  	_ =	swait.ge [sflag:s19], $0x1000  }
0x36: {  	[sflag:s19] =	ssyncset.done $0x0  }
0x37: {  	[sflag:s19] =	ssyncadd.s32 $0xFFFFF000  }
0x38: {  	_ =	swait.ge [sflag:s19], $0x1000  }
0x39: {  	[sflag:s19] =	ssyncset.done $0x0  }
0x3a: {  	[sflag:s19] =	ssyncadd.s32 $0xFFFFF000  }
0x3b: {  	_ =	swait.ge [sflag:s19], $0x1000  }
0x3c: {  	[sflag:s19] =	ssyncset.done $0x0  }
0x3d: {  	[sflag:s19] =	ssyncadd.s32 $0xFFFFF000  }
0x3e: {  	_ =	swait.ge [sflag:s19], $0x1000  }
0x3f: {  	[sflag:s19] =	ssyncset.done $0x0  }
0x40: {  	[sflag:s19] =	ssyncadd.s32 $0xFFFFF000  }
0x41: {  	_ =	swait.ge [sflag:s19], $0x1000  }
0x42: {  	[sflag:s19] =	ssyncset.done $0x0  }
0x43: {  	s31 =	sadd.s32 $0x0, s6;
	[sflag:s19] =	ssyncadd.s32 $0xFFFFF000  }
0x44: {  	[hbm4b:s31+s2] =	stream.linear.scatter [tilespmem:s9], [sflag:$0x2], $0xA000, $0x38;
	[tilespmem:$0xB900] =	vst v63  }
0x45: {  	_ =	swait.ge [sflag:s7], $0xA000  }
0x46: {  	s21 =	simm.s32 $0x1400;
	s24 =	simm.s32 $0x2800;
	[sflag:s7] =	ssyncset.done $0x0  }
.LBB2_2:
0x47: {  	s25 =	sshra.s32 s21, $0x2  }
0x48: {  	[sflag:s7] =	ssyncadd.s32 $0xFFFF6000;
	s23 =	smov.u32 s24;
	s22 =	sadd.s32 $0x1400, s24  }
0x49: {  	[tilespmem:s9], [sflag:$0x1] =	stream.indirect.gather [hbm4b:s3+s8], $0x20, s25, s8, $0xb8;
	[tilespmem:$0xB900] =	vst v63  }
0x4a: {  	p0 =	sne.s32 s24, $0x5000;
	s24 =	sadd.s32 $0x80, s25  }
0x4b: {  	[tilespmem:s10], [sflag:$0x1] =	stream.indirect.gather [hbm4b:s3+s8], $0x20, s24, s8, $0xb8;
	[tilespmem:$0xB900] =	vst v63  }
0x4c: {  	s24 =	sadd.s32 $0x100, s25  }
0x4d: {  	[tilespmem:s11], [sflag:$0x1] =	stream.indirect.gather [hbm4b:s3+s8], $0x20, s24, s8, $0xb8;
	[tilespmem:$0xB900] =	vst v63  }
0x4e: {  	s24 =	sadd.s32 $0x180, s25  }
0x4f: {  	[tilespmem:s12], [sflag:$0x1] =	stream.indirect.gather [hbm4b:s3+s8], $0x20, s24, s8, $0xb8;
	[tilespmem:$0xB900] =	vst v63  }
0x50: {  	s24 =	sadd.s32 $0x200, s25  }
0x51: {  	[tilespmem:s13], [sflag:$0x1] =	stream.indirect.gather [hbm4b:s3+s8], $0x20, s24, s8, $0xb8;
	[tilespmem:$0xB900] =	vst v63  }
0x52: {  	s24 =	sadd.s32 $0x280, s25  }
0x53: {  	[tilespmem:s14], [sflag:$0x1] =	stream.indirect.gather [hbm4b:s3+s8], $0x20, s24, s8, $0xb8;
	[tilespmem:$0xB900] =	vst v63  }
0x54: {  	s24 =	sadd.s32 $0x300, s25  }
0x55: {  	[tilespmem:s15], [sflag:$0x1] =	stream.indirect.gather [hbm4b:s3+s8], $0x20, s24, s8, $0xb8;
	[tilespmem:$0xB900] =	vst v63  }
0x56: {  	s24 =	sadd.s32 $0x380, s25  }
0x57: {  	[tilespmem:s16], [sflag:$0x1] =	stream.indirect.gather [hbm4b:s3+s8], $0x20, s24, s8, $0xb8;
	[tilespmem:$0xB900] =	vst v63  }
0x58: {  	s24 =	sadd.s32 $0x400, s25  }
0x59: {  	[tilespmem:s17], [sflag:$0x1] =	stream.indirect.gather [hbm4b:s3+s8], $0x20, s24, s8, $0xb8;
	[tilespmem:$0xB900] =	vst v63  }
0x5a: {  	s24 =	sadd.s32 $0x480, s25  }
0x5b: {  	[tilespmem:s18], [sflag:$0x1] =	stream.indirect.gather [hbm4b:s3+s8], $0x20, s24, s8, $0xb8;
	[tilespmem:$0xB900] =	vst v63  }
0x5c: {  	_ =	swait.ge [sflag:s19], $0x1000  }
0x5d: {  	[sflag:s19] =	ssyncset.done $0x0  }
0x5e: {  	[sflag:s19] =	ssyncadd.s32 $0xFFFFF000  }
0x5f: {  	_ =	swait.ge [sflag:s19], $0x1000  }
0x60: {  	[sflag:s19] =	ssyncset.done $0x0  }
0x61: {  	[sflag:s19] =	ssyncadd.s32 $0xFFFFF000  }
0x62: {  	_ =	swait.ge [sflag:s19], $0x1000  }
0x63: {  	[sflag:s19] =	ssyncset.done $0x0  }
0x64: {  	[sflag:s19] =	ssyncadd.s32 $0xFFFFF000  }
0x65: {  	_ =	swait.ge [sflag:s19], $0x1000  }
0x66: {  	[sflag:s19] =	ssyncset.done $0x0  }
0x67: {  	[sflag:s19] =	ssyncadd.s32 $0xFFFFF000  }
0x68: {  	_ =	swait.ge [sflag:s19], $0x1000  }
0x69: {  	[sflag:s19] =	ssyncset.done $0x0  }
0x6a: {  	[sflag:s19] =	ssyncadd.s32 $0xFFFFF000  }
0x6b: {  	_ =	swait.ge [sflag:s19], $0x1000  }
0x6c: {  	[sflag:s19] =	ssyncset.done $0x0  }
0x6d: {  	[sflag:s19] =	ssyncadd.s32 $0xFFFFF000  }
0x6e: {  	_ =	swait.ge [sflag:s19], $0x1000  }
0x6f: {  	[sflag:s19] =	ssyncset.done $0x0  }
0x70: {  	[sflag:s19] =	ssyncadd.s32 $0xFFFFF000  }
0x71: {  	_ =	swait.ge [sflag:s19], $0x1000  }
0x72: {  	[sflag:s19] =	ssyncset.done $0x0  }
0x73: {  	[sflag:s19] =	ssyncadd.s32 $0xFFFFF000  }
0x74: {  	_ =	swait.ge [sflag:s19], $0x1000  }
0x75: {  	[sflag:s19] =	ssyncset.done $0x0  }
0x76: {  	[sflag:s19] =	ssyncadd.s32 $0xFFFFF000  }
0x77: {  	_ =	swait.ge [sflag:s19], $0x1000  }
.Ltmp0:
0x78: {  	[sflag:s19] =	ssyncset.done $0x0;
	(pc) =	sbr.rel @p0 .LBB2_2-.Ltmp0, $4  }
0x79: {  	s24 =	sadd.s32 s21, s6;
	s21 =	smov.u32 s23;
	[sflag:s19] =	ssyncadd.s32 $0xFFFFF000  }
0x7a: {  	[hbm4b:s24+s2] =	stream.linear.scatter [tilespmem:s9], [sflag:$0x2], $0xA000, $0x38;
	[tilespmem:$0xB900] =	vst v63  }
0x7b: {  	_ =	swait.ge [sflag:s7], $0xA000  }
0x7c: {  	s24 =	smov.u32 s22;
	[sflag:s7] =	ssyncset.done $0x0  }
0x7d: {  	s22 =	sshra.s32 s21, $0x2;
	[sflag:s7] =	ssyncadd.s32 $0xFFFF6000  }
0x7e: {  	[tilespmem:s9], [sflag:$0x1] =	stream.indirect.gather [hbm4b:s3+s8], $0x20, s22, s8, $0xb8;
	[tilespmem:$0xB900] =	vst v63  }
0x7f: {  	s23 =	sadd.s32 $0x80, s22  }
0x80: {  	[tilespmem:s10], [sflag:$0x1] =	stream.indirect.gather [hbm4b:s3+s8], $0x20, s23, s8, $0xb8;
	[tilespmem:$0xB900] =	vst v63  }
0x81: {  	s31 =	sadd.s32 $0x100, s22  }
0x82: {  	[tilespmem:s11], [sflag:$0x1] =	stream.indirect.gather [hbm4b:s3+s8], $0x20, s31, s8, $0xb8;
	[tilespmem:$0xB900] =	vst v63  }
0x83: {  	s24 =	sadd.s32 $0x180, s22  }
0x84: {  	[tilespmem:s12], [sflag:$0x1] =	stream.indirect.gather [hbm4b:s3+s8], $0x20, s24, s8, $0xb8;
	[tilespmem:$0xB900] =	vst v63  }
0x85: {  	s25 =	sadd.s32 $0x200, s22  }
0x86: {  	[tilespmem:s13], [sflag:$0x1] =	stream.indirect.gather [hbm4b:s3+s8], $0x20, s25, s8, $0xb8;
	[tilespmem:$0xB900] =	vst v63  }
0x87: {  	s26 =	sadd.s32 $0x280, s22  }
0x88: {  	[tilespmem:s14], [sflag:$0x1] =	stream.indirect.gather [hbm4b:s3+s8], $0x20, s26, s8, $0xb8;
	[tilespmem:$0xB900] =	vst v63  }
0x89: {  	s28 =	sadd.s32 $0x300, s22  }
0x8a: {  	[tilespmem:s15], [sflag:$0x1] =	stream.indirect.gather [hbm4b:s3+s8], $0x20, s28, s8, $0xb8;
	[tilespmem:$0xB900] =	vst v63  }
0x8b: {  	s29 =	sadd.s32 $0x380, s22  }
0x8c: {  	[tilespmem:s16], [sflag:$0x1] =	stream.indirect.gather [hbm4b:s3+s8], $0x20, s29, s8, $0xb8;
	[tilespmem:$0xB900] =	vst v63  }
0x8d: {  	s30 =	sadd.s32 $0x400, s22  }
0x8e: {  	[tilespmem:s17], [sflag:$0x1] =	stream.indirect.gather [hbm4b:s3+s8], $0x20, s30, s8, $0xb8;
	[tilespmem:$0xB900] =	vst v63  }
0x8f: {  	s22 =	sadd.s32 $0x480, s22  }
0x90: {  	[tilespmem:s18], [sflag:$0x1] =	stream.indirect.gather [hbm4b:s3+s8], $0x20, s22, s8, $0xb8;
	[tilespmem:$0xB900] =	vst v63  }
0x91: {  	_ =	swait.ge [sflag:s19], $0x1000  }
0x92: {  	[sflag:s19] =	ssyncset.done $0x0  }
0x93: {  	[sflag:s19] =	ssyncadd.s32 $0xFFFFF000  }
0x94: {  	_ =	swait.ge [sflag:s19], $0x1000  }
0x95: {  	[sflag:s19] =	ssyncset.done $0x0  }
0x96: {  	[sflag:s19] =	ssyncadd.s32 $0xFFFFF000  }
0x97: {  	_ =	swait.ge [sflag:s19], $0x1000  }
0x98: {  	[sflag:s19] =	ssyncset.done $0x0  }
0x99: {  	[sflag:s19] =	ssyncadd.s32 $0xFFFFF000  }
0x9a: {  	_ =	swait.ge [sflag:s19], $0x1000  }
0x9b: {  	[sflag:s19] =	ssyncset.done $0x0  }
0x9c: {  	[sflag:s19] =	ssyncadd.s32 $0xFFFFF000  }
0x9d: {  	_ =	swait.ge [sflag:s19], $0x1000  }
0x9e: {  	[sflag:s19] =	ssyncset.done $0x0  }
0x9f: {  	[sflag:s19] =	ssyncadd.s32 $0xFFFFF000  }
0xa0: {  	_ =	swait.ge [sflag:s19], $0x1000  }
0xa1: {  	[sflag:s19] =	ssyncset.done $0x0  }
0xa2: {  	[sflag:s19] =	ssyncadd.s32 $0xFFFFF000  }
0xa3: {  	_ =	swait.ge [sflag:s19], $0x1000  }
0xa4: {  	[sflag:s19] =	ssyncset.done $0x0  }
0xa5: {  	[sflag:s19] =	ssyncadd.s32 $0xFFFFF000  }
0xa6: {  	_ =	swait.ge [sflag:s19], $0x1000  }
0xa7: {  	[sflag:s19] =	ssyncset.done $0x0  }
0xa8: {  	[sflag:s19] =	ssyncadd.s32 $0xFFFFF000  }
0xa9: {  	_ =	swait.ge [sflag:s19], $0x1000  }
0xaa: {  	[sflag:s19] =	ssyncset.done $0x0  }
0xab: {  	[sflag:s19] =	ssyncadd.s32 $0xFFFFF000  }
0xac: {  	s20 =	sadd.s32 $0x1, s20;
	_ =	swait.ge [sflag:s19], $0x1000  }
0xad: {  	p0 =	sne.s32 s20, s5;
	[sflag:s19] =	ssyncset.done $0x0  }
.Ltmp1:
0xae: {  	s31 =	sadd.s32 s21, s6;
	[sflag:s19] =	ssyncadd.s32 $0xFFFFF000;
	(pc) =	sbr.rel @p0 .LBB2_1-.Ltmp1, $4  }
0xaf: {  	[hbm4b:s31+s2] =	stream.linear.scatter [tilespmem:s9], [sflag:$0x2], $0xA000, $0x38;
	[tilespmem:$0xB900] =	vst v63  }
0xb0: {  	_ =	swait.ge [sflag:s7], $0xA000  }
0xb1: {  	[sflag:s7] =	ssyncset.done $0x0  }
0xb2: {  	[sflag:s7] =	ssyncadd.s32 $0xFFFF6000  }
0xb3: {  	_ =	sfence.sel $0x180000  }
0xb4: {  	[bflag:$0x0] =	sbarrier.arrive $0xFFFF  }
0xb5: {  	p0 =	sne.s32 s1, $0x0;
	_ =	strace $0x90000047  }
0xb6: {  	s0 =	sadd.s32 @!p0 $0x100000, s0;
	[bflag:$0x2] =	sbarrier.arrive $0xFFFF  }
0xb7: {  	[sflag:s0] =	ssyncadd.tile.s32 @!p0 $0x1;
	_ =	shalt  }
.Lfunc_end2:
_tile_overlayer_lowered:
.L_overlay_start_2:
0xb8: {  	(tag) =	ssettag $0x2  }
0xb9: {  	s0 =	rddreg [dreg:$0x0];
	s2 =	stileid.u32  }
0xba: {  	s1 =	rddreg [dreg:$0x1];
	p0 =	sne.s32 s2, $0x0  }
0xbb: {  	s3 =	rddreg [dreg:$0x2];
	[bflag:$0x3] =	sbarrier.arrive $0xFFFF;
	s2 =	simm.s32 @!p0 $0x1C02  }
0xbc: {  	[timem:s3], [sflag:s2] =	dma.local @!p0 [hbm:s0], s1  }
0xbd: {  	s0 =	simm.s32 @!p0 $0x2  }
0xbe: {  	_ =	swait.ge @!p0 [sflag:s0], s1  }
0xbf: {  	s1 =	ssub.s32 @!p0 $0x0, s1;
	[sflag:s0] =	ssyncset.done @!p0 $0x0  }
0xc0: {  	[sflag:s0] =	ssyncadd.s32 @!p0 s1  }
0xc1: {  	[bflag:$0x3] =	sbarrier.arrive $0xFFFF  }
0xc2: {  	_ =	shalt  }

// kernel: sparse-core-data-format-call.cloned.1.call-start
scs
called_computation_lowered:
.L_overlay_start_0:
0x0: {  	s2 =	sld [smem:$0x3FD9]  }
0x1: {  	s3 =	sld [smem:$0x3FFE];
	_ =	sdelay $0x1  }
0x2: {  	s1 =	srdreg.scid  }
0x3: {  	s0 =	sand.u32 $0x1, s1  }
0x4: {  	s18 =	sshll.u32 s0, $0xA;
	s2 =	sadd.s32 s3, s2  }
0x5: {  	s2 =	sadd.s32 s2, s18  }
0x6: {  	[smem:$0x3FC5] =	sst s2  }
0x7: {  	_ = 	snop  }
0x8: {  	s2 =	sld [smem:$0x3FD0];
	(tm) =	ssettm $0x1  }
0x9: {  	s19 =	sld [smem:$0x3FFB];
	_ =	sdelay $0x3  }
0xa: {  	_ =	strace s19  }
0xb: {  	s3 =	sld [smem:$0x3FFC];
	_ =	sdelay $0x3  }
0xc: {  	_ =	strace s3  }
0xd: {  	s3 =	sld [smem:$0x3FFD];
	_ =	sdelay $0x3  }
0xe: {  	_ =	strace s3  }
0xf: {  	_ =	strace $0x8FFFFFFF  }
0x10: {  	s20 =	sld [smem:$0x3FDB];
	_ =	sdelay $0x1  }
0x11: {  	s4 =	simm.s32 $_scs_section_size  }
0x12: {  	s5 =	simm.s32 $_size__tile_overlayer_lowered;
	s6 =	simm.s32 $_tile_overlayer_lowered  }
0x13: {  	s23 =	simm.s32 $0x1BFF;
	s22 =	sshll.u32 s6, $0x1;
	s3 =	sadd.s32 s4, s20  }
0x14: {  	s7 =	simm.s32 $0x0;
	s21 =	sshll.u32 s5, $0x1;
	s5 =	sadd.s32 s22, s3  }
0x15: {  	[timem:s7], [sflag:s23] =	dma.local [hbm:s5], s21  }
0x16: {  	_ =	swait.ge [sflag:s23], s21  }
0x17: {  	s4 =	ssub.s32 $0x0, s21;
	[sflag:s23] =	ssyncset.done $0x0  }
0x18: {  	[sflag:s23] =	ssyncadd.s32 s4;
	_ =	sdelay $0x1  }
0x19: {  	s24 =	simm.s32 $0x1B8B  }
0x1a: {  	_ =	swait.ge [sflag:s24], $0x1  }
0x1b: {  	[sflag:s24] =	ssyncset.done $0x0  }
0x1c: {  	s26 =	simm.s32 $0x1B8E;
	s25 =	sld [smem:$0x3FFE];
	[sflag:s24] =	ssyncadd.s32 $0xFFFFFFFF  }
0x1d: {  	s27 =	simm.s32 $execute0_lowered;
	[smem:$0x3FD2] =	sst s26  }
0x1e: {  	s5 =	sshll.u32 s27, $0x1;
	_ =	strace $0x80000049;
	[dreg:$0x1] =	wrdreg $0xFFFFFFFF  }
0x1f: {  	s28 =	simm.s32 $_size_execute0_lowered;
	s3 =	sadd.s32 s3, s5;
	[dreg:$0x0] =	wrdreg $0x0  }
0x20: {  	s5 =	sshll.u32 s28, $0x1;
	[dreg:$0x2] =	wrdreg s3  }
0x21: {  	[dreg:$0x3] =	wrdreg s5  }
0x22: {  	[dreg:$0x4] =	wrdreg $0xC0  }
0x23: {  	_ =	task [dreg:s7], $0x5FFFF  }
0x24: {  	[dreg:$0x1] =	wrdreg $0xFFFFFFFF  }
0x25: {  	[dreg:$0x0] =	wrdreg $0x60  }
0x26: {  	[dreg:$0x2] =	wrdreg s25  }
0x27: {  	[dreg:$0x3] =	wrdreg s2  }
0x28: {  	[dreg:$0x4] =	wrdreg $0x9  }
0x29: {  	_ =	task.clear_ibuf [dreg:s7], $0x5FFFF;
	_ =	strace $0x90000049  }
0x2a: {  	s29 =	simm.s32 $0x9;
	_ =	strace $0x8000004B  }
0x2b: {  	_ =	swait.ge [sflag:s29], $0x1  }
0x2c: {  	[sflag:s29] =	ssyncadd.s32 $0xFFFFFFFF  }
0x2d: {  	_ =	strace $0x9000004B  }
0x2e: {  	_ =	sfence  }
0x2f: {  	s30 =	sld [smem:$0x0];
	_ =	sdelay $0x2  }
0x30: {  	s31 =	sshll.u32 s1, $0xD;
	s1 =	sshrl.u32 s1, $0x2  }
0x31: {  	s3 =	sand.u32 $0x4000, s31;
	s1 =	sadd.s32 s1, s30  }
0x32: {  	s0 =	sor.u32 s3, s0;
	s1 =	sshll.u32 s1, $0x11  }
0x33: {  	s0 =	sor.u32 s1, s0  }
0x34: {  	s0 =	sadd.s32 $0x8F2B, s0  }
0x35: {  	[sflag:s0] =	ssyncadd.remote.s32 $0x1  }
0x36: {  	_ =	sfence.sel $0xFFFF  }
0x37: {  	[dreg:$0x0] =	wrdreg $0xFFFFFFFF;
	(pc) =	sbr.abs _section_cstart, $3  }
0x38: {  	[dreg:$0x1] =	wrdreg $0xFFFFFFFF  }
0x39: {  	_ =	task.clear_ibuf [dreg:s7], $0x2FFFF;
	_ =	strace $0x9FFFFFFF  }
0x3a: {  	(tm) =	ssettm $0x7FFFFFFF  }
0x3b: {  	_ =	shalt  }
tec
execute0_lowered:
.L_overlay_start_1:
0x0: {  	(tag) =	ssettag $0x1  }
0x1: {  	s4 =	rddreg [dreg:$0x0]  }
0x2: {  	s0 =	stileid.u32;
	s2 =	rddreg [dreg:$0x1]  }
0x3: {  	s1 =	rddreg [dreg:$0x2];
	_ =	strace $0x8000004A;
	s10 =	srdreg.scid  }
0x4: {  	s31 =	simm.s32 $0x2;
	s18 =	simm.s32 $0x0;
	s11 =	simm.s32 $0x2000  }
0x5: {  	s19 =	simm.s32 $0x0;
	s20 =	simm.s32 $0x0;
	s12 =	simm.s32 $0x0  }
0x6: {  	s13 =	simm.s32 $0x0;
	s14 =	simm.s32 $0x0;
	s3 =	sshll.u32 s0, $0x7  }
0x7: {  	s17 =	simm.s32 $0x0;
	s4 =	sadd.s32 $0x800, s4;
	s3 =	sand.u32 $0x380, s3  }
0x8: {  	s5 =	sshrl.u32 s0, $0x3;
	s30 =	sshll.u32 s10, $0x7;
	s6 =	ssub.s32 $0x400, s3  }
0x9: {  	s8 =	ssub.s32 $0xC8, s5;
	s7 =	sshrl.u32 s6, $0xA;
	s6 =	sand.u32 $0x380, s6  }
0xa: {  	s9 =	sshrl.u32 s8, $0x1;
	p0 =	sne.s32 s6, $0x0;
	s6 =	simm.s32 $0x1  }
.Ltmp0:
0xb: {  	s8 =	sand.u32 $0x1, s8;
	s6 =	simm.s32 @!p0 $0x0;
	(pc) =	sbr.rel .LBB1_1-.Ltmp0, $4  }
0xc: {  	s15 =	smov.u32 s5;
	s8 =	sadd.s32 s8, s9;
	s7 =	sadd.s32 s6, s7  }
0xd: {  	s16 =	smov.u32 s3;
	s6 =	simm.s32 $0x1;
	s7 =	smul.u32 s8, s7  }
0xe: {  	p0 =	por $0x0, $0x0;
	s8 =	sand.u32 $0x80, s30;
	[sflag:s6] =	ssyncpa.u1 $0x0  }
0xf: {  	[sflag:s31] =	ssyncpa.u1 $0x0;
	s9 =	sshll.u32 s8, $0x3;
	s10 =	sadd.s32 $0x1, s7  }
.LBB1_4:
0x10: {  	s25 =	sshra.s32 s25, $0x2;
	s26 =	sshrl.u32 s14, $0x7;
	p1 =	sgt.s32 s14, $0x380  }
0x11: {  	s27 =	sshra.s32 s14, $0x1F;
	s29 =	smov.u32 s13;
	s31 =	sshra.s32 s13, $0x1F  }
0x12: {  	s24 =	sadd.s32 s25, s24;
	s30 =	sadd.s32 s26, s12;
	s26 =	smov.u32 s14  }
0x13: {  	v5 =	vld [tilespmem:s22+$0xFFFFFFD0];
	[tilespmem:s23+$0x2040 ss:$0x81] =	vst.msk $0xffff, v4;
	s27 =	sand.u32 s27, s14;
	s25 =	sand.u32 $0x3FFFFF, s30;
	s26 =	simm.s32 @!p1 $0x380  }
0x14: {  	v58 =	vld [tilespmem:s22+$0xFFFFFFE0];
	[tilespmem:s23+$0x2850 ss:$0x81] =	vst.msk $0xffff, v3;
	p1 =	sgt.s32 s13, $0xC7;
	s28 =	smulhi.u32 $0x199999A, s25;
	s26 =	ssub.s32 s26, s27  }
0x15: {  	v59 =	vld [tilespmem:s22+$0xFFFFFFF0];
	[tilespmem:s23+$0x3060 ss:$0x81] =	vst.msk $0xffff, v2;
	s29 =	simm.s32 @!p1 $0xC7;
	s27 =	sand.u32 s31, s13;
	p1 =	sgt.s32 s12, $0x20  }
0x16: {  	v60 =	vld [tilespmem:s22+$0x0];
	[tilespmem:s23+$0x0 ss:$0x81] =	vst.msk $0xffff, v1;
	s23 =	ssub.s32 s29, s27;
	s27 =	smov.u32 s12;
	s30 =	sadd.s32 $0xFFFFFC80, s26  }
0x17: {  	v61 =	vld [tilespmem:s22+$0x10];
	[tilespmem:s24+$0x3870 ss:$0x81] =	vst.msk $0xffff, v0;
	s26 =	ssub.s32 $0x400, s26;
	s27 =	simm.s32 @!p1 $0x20;
	p1 =	sgt.s32 s30, $0x7F  }
0x18: {  	v62 =	vld [tilespmem:s22+$0x20];
	s28 =	smul.u32 $0xA0, s28;
	[tilespmem:s24+$0x810 ss:$0x81] =	vst.msk $0xffff, v5;
	s27 =	ssub.s32 $0xA0, s27;
	s26 =	simm.s32 @p1 $0x0  }
0x19: {  	v63 =	vld [tilespmem:s22+$0xFFFFFFC0];
	s29 =	sand.u32 $0x7, s14;
	s31 =	sadd.s32 $0xFFFFFF39, s23;
	[tilespmem:s24+$0x1020 ss:$0x81] =	vst.msk $0xffff, v58;
	s26 =	smul.u32 s27, s26  }
0x1a: {  	s22 =	ssub.s32 $0xC8, s23;
	[tilespmem:s24+$0x1830 ss:$0x81] =	vst.msk $0xffff, v59;
	p1 =	sgt.s32 s31, $0x0;
	s27 =	smul.u32 $0x5000, s13  }
0x1b: {  	[tilespmem:s24+$0x2040 ss:$0x81] =	vst.msk $0xffff, v60;
	s22 =	simm.s32 @p1 $0x0;
	s25 =	ssub.s32 s25, s28;
	s28 =	sshrl.u32 s14, $0x3  }
0x1c: {  	[tilespmem:s24+$0x2850 ss:$0x81] =	vst.msk $0xffff, v61;
	s23 =	sand.u32 $0xF, s28;
	s22 =	smul.u32 s22, s26;
	s26 =	sadd.s32 s2, s27  }
0x1d: {  	[tilespmem:s24+$0x3060 ss:$0x81] =	vst.msk $0xffff, v62;
	s30 =	sshll.u32 s29, $0x12;
	s25 =	sshll.u32 s25, $0x7;
	s23 =	sadd.s32 s23, s26  }
0x1e: {  	[tilespmem:s24+$0x0 ss:$0x81] =	vst.msk $0xffff, v63;
	s31 =	sor.u32 $0x400, s30;
	s22 =	sand.u32 $0x3FFFFFFF, s22;
	s23 =	sadd.s32 s25, s23  }
0x1f: {  	[hbm4b:s23+s31] =	stream.strided.scatter [tilespmem:s21], [sflag:$0x2], s22, s11, s31, $0x20;
	[tilespmem:$0x10100] =	vst v63  }
.LBB1_5:
0x20: {  	p1 =	slt.u32 s17, $0x2;
	s21 =	smov.u32 s19  }
0x21: {  	s22 =	smov.u32 s20;
	p2 =	sgt.s32 @!p1 s19, $0xC7;
	p3 =	sgt.s32 @!p1 s20, $0x380  }
0x22: {  	s23 =	sshra.s32 @!p1 s20, $0x1F;
	p2 =	por !p2, p1;
	p3 =	por !p3, p1  }
0x23: {  	s20 =	sand.u32 @!p1 s23, s20;
	s21 =	simm.s32 @p2 $0xC7;
	s22 =	simm.s32 @p3 $0x380  }
0x24: {  	p2 =	sgt.s32 @!p1 s18, $0x20;
	s20 =	ssub.s32 @!p1 s22, s20;
	s22 =	sshra.s32 @!p1 s19, $0x1F  }
0x25: {  	p2 =	por !p2, p1;
	s19 =	sand.u32 @!p1 s22, s19;
	s22 =	sadd.s32 @!p1 $0xFFFFFC80, s20  }
0x26: {  	s18 =	simm.s32 @p2 $0x20;
	s19 =	ssub.s32 @!p1 s21, s19;
	p2 =	sgt.s32 @!p1 s22, $0x7F  }
0x27: {  	s20 =	ssub.s32 @!p1 $0x400, s20;
	s21 =	sadd.s32 @!p1 $0xFFFFFF39, s19;
	p2 =	por !p2, p1  }
0x28: {  	s18 =	ssub.s32 @!p1 $0xA0, s18;
	s20 =	simm.s32 @!p2 $0x0;
	p2 =	sgt.s32 @!p1 s21, $0x0  }
0x29: {  	s19 =	ssub.s32 @!p1 $0xC8, s19;
	p2 =	por !p2, p1;
	s18 =	smul.u32 @!p1 s18, s20  }
0x2a: {  	s23 =	smov.u32 s16;
	s21 =	sadd.s32 $0x2, s15;
	s19 =	simm.s32 @!p2 $0x0  }
0x2b: {  	p2 =	sgt.s32 s21, $0xC7;
	s18 =	smul.u32 @!p1 s19, s18;
	s19 =	sadd.s32 $0x400, s16  }
0x2c: {  	s25 =	sadd.s32 $0x1, s17;
	s23 =	smov.u32 @p2 s19  }
0x2d: {  	p0 =	por !p0, !p0;
	s21 =	smov.u32 @p2 s5;
	p2 =	sgt.s32 s23, $0x3FF  }
0x2e: {  	s22 =	simm.s32 @!p1 $0x2;
	s23 =	smov.u32 @p2 s3;
	p2 =	sne.s32 s17, s10  }
.Ltmp1:
0x2f: {  	s20 =	smov.u32 s14;
	s14 =	smov.u32 s16;
	(pc) =	sbr.rel @!p2 .LBB1_6-.Ltmp1, $4  }
0x30: {  	s19 =	smov.u32 s13;
	s13 =	smov.u32 s15;
	s18 =	sand.u32 @!p1 $0x3FFFFFFF, s18  }
0x31: {  	s15 =	smov.u32 s21;
	_ =	swait.ge @!p1 [sflag:s22], s18;
	s24 =	ssub.s32 @!p1 $0x0, s18  }
0x32: {  	s18 =	smov.u32 s12;
	s12 =	smov.u32 s8;
	[sflag:s22] =	ssyncset.done @!p1 $0x0  }
0x33: {  	s17 =	smov.u32 s25;
	s16 =	smov.u32 s23;
	[sflag:s22] =	ssyncadd.s32 @!p1 s24  }
.LBB1_1:
0x34: {  	p1 =	sge.u32 s17, s7  }
0x35: {  	s21 =	sshll.u32 @!p1 s15, $0x8  }
0x36: {  	s22 =	sshll.u32 @!p1 s15, $0x7;
	s21 =	sand.u32 @!p1 $0xFFFFF800, s21  }
0x37: {  	s22 =	sand.u32 @!p1 $0x300, s22;
	s21 =	sor.u32 @!p1 s9, s21  }
0x38: {  	s21 =	sor.u32 @!p1 s22, s21  }
0x39: {  	s21 =	sshrl.u32 @!p1 s21, $0x8  }
0x3a: {  	s22 =	smulhi.u32 @!p1 $0x147AE15, s21;
	_ =	sdelay $0x1  }
0x3b: {  	s22 =	smul.u32 @!p1 $0xC8, s22  }
0x3c: {  	s31 =	sadd.s32 $0xFFFFFFFF, s17;
	s23 =	smul.u32 @!p1 $0x1900, s16  }
0x3d: {  	s24 =	sxor.u32 @!p1 $0xFFFFFFFF, s17;
	s21 =	ssub.s32 @!p1 s21, s22;
	s22 =	sshll.u32 @!p1 s15, $0x4  }
0x3e: {  	s24 =	sshll.u32 @!p1 s24, $0xE;
	s23 =	sadd.s32 @!p1 s4, s23;
	s22 =	sand.u32 @!p1 $0x10, s22  }
0x3f: {  	s24 =	sand.u32 @!p1 $0x4000, s24;
	s21 =	sshll.u32 @!p1 s21, $0x5;
	s22 =	sadd.s32 @!p1 s22, s23  }
0x40: {  	s23 =	simm.s32 @!p1 $0xC800;
	s21 =	sadd.s32 @!p1 s21, s22;
	s22 =	simm.s32 @!p1 $0x80  }
0x41: {  	[tilespmem:s24], [sflag:$0x1] =	stream.strided.gather @!p1 [hbm4b:s21+s22], $0x4000, s23, s22, $0x38;
	[tilespmem:$0x10100] =	vst v63  }
0x42: {  	p1 =	sge.u32 s31, s7  }
.Ltmp2:
0x43: {  	_ = 	snop;
	(pc) =	sbr.rel @p1 .LBB1_5-.Ltmp2, $1  }
0x44: {  	_ =	sdelay $0x3  }
0x45: {  	s21 =	simm.s32 $0x1  }
0x46: {  	_ =	swait.ge [sflag:s6], $0x4000;
	s21 =	simm.s32 @!p0 $0x0  }
0x47: {  	[sflag:s6] =	ssyncset.done $0x0;
	s22 =	sshll.u32 s21, $0xE  }
0x48: {  	[sflag:s6] =	ssyncadd.s32 $0xFFFFC000;
	s22 =	sor.u32 $0x40, s22  }
0x49: {  	s21 =	smul.u32 $0x10200, s21;
	v0 =	vld [tilespmem:s22+$0x30]  }
0x4a: {  	v1 =	vld [tilespmem:s22+$0xFFFFFFD0]  }
0x4b: {  	s21 =	sshrl.u32 s21, $0x2;
	v5 =	vld [tilespmem:s22+$0xFFFFFFE0]  }
0x4c: {  	v6 =	vld [tilespmem:s22+$0xFFFFFFF0];
	s24 =	sor.u32 $0x8000, s21  }
0x4d: {  	s31 =	sand.u32 $0x1, s17;
	v4 =	vld [tilespmem:s22+$0x0];
	s23 =	sadd.s32 $0x0, s24  }
0x4e: {  	v3 =	vld [tilespmem:s22+$0x10];
	s21 =	smul.u32 $0x10200, s31;
	[tilespmem:s23+$0x3870 ss:$0x81] =	vst.msk $0xffff, v0  }
0x4f: {  	v2 =	vld [tilespmem:s22+$0x20];
	[tilespmem:s23+$0x810 ss:$0x81] =	vst.msk $0xffff, v1  }
0x50: {  	s21 =	sshrl.u32 s21, $0x2;
	v1 =	vld [tilespmem:s22+$0xFFFFFFC0];
	[tilespmem:s23+$0x1020 ss:$0x81] =	vst.msk $0xffff, v5;
	s22 =	sadd.s32 $0x80, s22  }
0x51: {  	s25 =	simm.s32 $0x4;
	s26 =	simm.s32 $0x8;
	s21 =	sor.u32 $0x8000, s21;
	[tilespmem:s23+$0x1830 ss:$0x81] =	vst.msk $0xffff, v6;
	v0 =	vld [tilespmem:s22+$0x30]  }
.LBB1_3:
0x52: {  	p1 =	sne.s32 s26, $0x1FC;
	v5 =	vld [tilespmem:s22+$0xFFFFFFD0];
	[tilespmem:s23+$0x2040 ss:$0x81] =	vst.msk $0xffff, v4  }
0x53: {  	v6 =	vld [tilespmem:s22+$0xFFFFFFE0];
	[tilespmem:s23+$0x2850 ss:$0x81] =	vst.msk $0xffff, v3  }
0x54: {  	s27 =	sshra.s32 s25, $0x2;
	s25 =	smov.u32 s26;
	v7 =	vld [tilespmem:s22+$0xFFFFFFF0];
	[tilespmem:s23+$0x3060 ss:$0x81] =	vst.msk $0xffff, v2  }
.Ltmp3:
0x55: {  	v4 =	vld [tilespmem:s22+$0x0];
	[tilespmem:s23+$0x0 ss:$0x81] =	vst.msk $0xffff, v1;
	s23 =	sadd.s32 s27, s24;
	(pc) =	sbr.rel @p1 .LBB1_3-.Ltmp3, $4  }
0x56: {  	v3 =	vld [tilespmem:s22+$0x10];
	[tilespmem:s23+$0x3870 ss:$0x81] =	vst.msk $0xffff, v0  }
0x57: {  	[tilespmem:s23+$0x810 ss:$0x81] =	vst.msk $0xffff, v5;
	v2 =	vld [tilespmem:s22+$0x20]  }
0x58: {  	v1 =	vld [tilespmem:s22+$0xFFFFFFC0];
	[tilespmem:s23+$0x1020 ss:$0x81] =	vst.msk $0xffff, v6;
	s22 =	sadd.s32 $0x80, s22  }
0x59: {  	s26 =	sadd.s32 $0x4, s26;
	v0 =	vld [tilespmem:s22+$0x30];
	[tilespmem:s23+$0x1830 ss:$0x81] =	vst.msk $0xffff, v7  }
.Ltmp4:
0x5a: {  	_ = 	snop;
	(pc) =	sbr.rel .LBB1_4-.Ltmp4, $1  }
0x5b: {  	_ =	sdelay $0x3  }
.LBB1_6:
0x5c: {  	_ =	sfence.sel $0x180000  }
0x5d: {  	s2 =	simm.s32 $0x1;
	[bflag:$0x0] =	sbarrier.arrive $0xFFFF  }
0x5e: {  	s31 =	simm.s32 $0x2;
	[sflag:s2] =	ssyncpa.u1 $0x1  }
0x5f: {  	[sflag:s31] =	ssyncpa.u1 $0x1  }
0x60: {  	p0 =	sne.s32 s0, $0x0;
	_ =	strace $0x9000004A  }
0x61: {  	s0 =	sadd.s32 @!p0 $0x100000, s1;
	[bflag:$0x2] =	sbarrier.arrive $0xFFFF  }
0x62: {  	[sflag:s0] =	ssyncadd.tile.s32 @!p0 $0x1;
	_ =	shalt  }
.Lfunc_end1:
_tile_overlayer_lowered:
.L_overlay_start_2:
0x63: {  	(tag) =	ssettag $0x2  }
0x64: {  	s0 =	rddreg [dreg:$0x0];
	s2 =	stileid.u32  }
0x65: {  	s1 =	rddreg [dreg:$0x1];
	p0 =	sne.s32 s2, $0x0  }
0x66: {  	s3 =	rddreg [dreg:$0x2];
	[bflag:$0x3] =	sbarrier.arrive $0xFFFF;
	s2 =	simm.s32 @!p0 $0x1C01  }
0x67: {  	[timem:s3], [sflag:s2] =	dma.local @!p0 [hbm:s0], s1  }
0x68: {  	s0 =	simm.s32 @!p0 $0x1  }
0x69: {  	_ =	swait.ge @!p0 [sflag:s0], s1  }
0x6a: {  	s1 =	ssub.s32 @!p0 $0x0, s1;
	[sflag:s0] =	ssyncset.done @!p0 $0x0  }
0x6b: {  	[sflag:s0] =	ssyncadd.s32 @!p0 s1  }
0x6c: {  	[bflag:$0x3] =	sbarrier.arrive $0xFFFF  }
0x6d: {  	_ =	shalt  }

</sc_bundles>
